<compile_context>
chip_gen: v7x
topology: tpu7x:2x2x1
jax: 0.10.2.dev20260603
libtpu: 0.0.44.dev20260713+nightly
codegen_flags: <defaults>
</compile_context>

<pallas_src>
import jax
import jax.numpy as jnp
from jax import lax
from jax.experimental import pallas as pl
from jax.experimental.pallas import tpu as pltpu
from jax.experimental.pallas import tpu_sc as plsc

NC = 2
NS = 16
CH = 128
F0 = 0.52


def _tile_count(c, s, nc0, nc1):
  return (jnp.where(c == 0, nc0, nc1) - s + NS - 1) // NS


def _make_sc_agg(n_feat, n_acc, nc0, nc1, kmax):
  rows = n_acc // NS
  mesh = plsc.VectorSubcoreMesh(core_axis_name="c", subcore_axis_name="s")

  def body(feat, src4, dst4, z2d, aggp, src_v, dst_v, rows_v, acc):
    c = lax.axis_index("c")
    s = lax.axis_index("s")
    base = s * rows
    kc = _tile_count(c, s, nc0, nc1)

    pltpu.sync_copy(z2d, acc.at[pl.ds(base, rows)])
    plsc.subcore_barrier()

    pltpu.sync_copy(src4.at[c, :, pl.ds(s * CH, CH)], src_v)
    pltpu.sync_copy(dst4.at[c, :, pl.ds(s * CH, CH)], dst_v)

    def step(j, carry):
      pltpu.sync_copy(feat.at[src_v.at[j]], rows_v)
      pltpu.sync_copy(rows_v, acc.at[dst_v.at[j]], add=True)
      return carry

    lax.fori_loop(0, kc, step, 0)

    plsc.subcore_barrier()
    pltpu.sync_copy(acc.at[pl.ds(base, rows)], aggp.at[c, pl.ds(base, rows)])

  return pl.kernel(
      body,
      out_type=jax.ShapeDtypeStruct((NC, n_acc, n_feat), jnp.float32),
      mesh=mesh,
      scratch_types=[
          pltpu.VMEM((kmax, CH), jnp.int32),
          pltpu.VMEM((kmax, CH), jnp.int32),
          pltpu.VMEM((CH, n_feat), jnp.float32),
          pltpu.VMEM_SHARED((n_acc, n_feat), jnp.float32),
      ])


def _make_sc_deg(n_acc, nc0, nc1, kmax):
  rows = n_acc // NS
  mesh = plsc.VectorSubcoreMesh(core_axis_name="c", subcore_axis_name="s")

  def body(dst4, z1d, ones1, degp, dst_v, ones_v, stage_v, degsh):
    c = lax.axis_index("c")
    s = lax.axis_index("s")
    base = s * rows
    kc = _tile_count(c, s, nc0, nc1)

    pltpu.sync_copy(z1d, stage_v)
    pltpu.sync_copy(stage_v, degsh.at[pl.ds(base, rows)])
    pltpu.sync_copy(ones1, ones_v)
    plsc.subcore_barrier()

    pltpu.sync_copy(dst4.at[c, :, pl.ds(s * CH, CH)], dst_v)

    def step(j, carry):
      pltpu.sync_copy(ones_v, degsh.at[dst_v.at[j]], add=True)
      return carry

    lax.fori_loop(0, kc, step, 0)

    plsc.subcore_barrier()
    pltpu.sync_copy(degsh.at[pl.ds(base, rows)], stage_v)
    pltpu.sync_copy(stage_v, degp.at[pl.ds(c * n_acc + base, rows)])

  return pl.kernel(
      body,
      out_type=jax.ShapeDtypeStruct((NC * n_acc,), jnp.float32),
      mesh=mesh,
      scratch_types=[
          pltpu.VMEM((kmax, CH), jnp.int32),
          pltpu.VMEM((CH,), jnp.float32),
          pltpu.VMEM((rows,), jnp.float32),
          pltpu.VMEM_SHARED((n_acc,), jnp.float32),
      ])


def _tc_layer1(aggp_ref, degp_ref, x_ref, wn_ref, ws_ref, b_ref, out_ref):
  agg = aggp_ref[0] + aggp_ref[1]
  deg = degp_ref[0] + degp_ref[1]
  inv = 1.0 / jnp.maximum(deg, 1.0)
  hn = jnp.dot(agg, wn_ref[...], preferred_element_type=jnp.float32) * inv
  hs = jnp.dot(x_ref[...], ws_ref[...], preferred_element_type=jnp.float32)
  out_ref[...] = jax.nn.relu(hn + hs + b_ref[...])


def _tc_layer2(aggp_ref, degp_ref, h_ref, wn_ref, ws_ref, b_ref,
               wc_ref, bc_ref, out_ref):
  agg = aggp_ref[0] + aggp_ref[1]
  deg = degp_ref[0] + degp_ref[1]
  inv = 1.0 / jnp.maximum(deg, 1.0)
  hn = jnp.dot(agg, wn_ref[...], preferred_element_type=jnp.float32) * inv
  hs = jnp.dot(h_ref[...], ws_ref[...], preferred_element_type=jnp.float32)
  h2 = jax.nn.relu(hn + hs + b_ref[...])
  out_ref[...] = jnp.dot(h2, wc_ref[...],
                         preferred_element_type=jnp.float32) + bc_ref[...]


@jax.jit
def kernel(x, edge_index, W1_neigh, W1_self, b1, W2_neigh, W2_self, b2, Wc, bc):
  n, n_feat = x.shape
  e = edge_index.shape[1]
  n_cls = Wc.shape[0]

  n_acc = -(-(n + 1) // (NS * 8)) * (NS * 8)
  rows = n_acc // NS

  n_chunks = -(-e // CH)
  kmax = int(round(n_chunks * F0 / NS))
  nc0 = kmax * NS
  nc1 = n_chunks - nc0
  assert 0 < nc1 <= nc0

  src = edge_index[0].astype(jnp.int32)
  dst = edge_index[1].astype(jnp.int32)
  pad = NC * NS * kmax * CH - e
  pad_dst = n + (jnp.arange(pad, dtype=jnp.int32) % (n_acc - n))
  src4 = jnp.concatenate([src, jnp.zeros((pad,), jnp.int32)]) \
      .reshape(NC, kmax, NS * CH)
  dst4 = jnp.concatenate([dst, pad_dst]).reshape(NC, kmax, NS * CH)

  z2d = jnp.zeros((rows, n_feat), jnp.float32)
  z1d = jnp.zeros((rows,), jnp.float32)
  ones1 = jnp.ones((CH,), jnp.float32)

  sc_agg = _make_sc_agg(n_feat, n_acc, nc0, nc1, kmax)
  sc_deg = _make_sc_deg(n_acc, nc0, nc1, kmax)

  degp = sc_deg(dst4, z1d, ones1).reshape(NC, n_acc, 1)
  aggp1 = sc_agg(x, src4, dst4, z2d)

  blk = 2000
  grid = (n // blk,)
  layer1 = pl.pallas_call(
      _tc_layer1,
      grid=grid,
      in_specs=[
          pl.BlockSpec((NC, blk, n_feat), lambda i: (0, i, 0)),
          pl.BlockSpec((NC, blk, 1), lambda i: (0, i, 0)),
          pl.BlockSpec((blk, n_feat), lambda i: (i, 0)),
          pl.BlockSpec((n_feat, n_feat), lambda i: (0, 0)),
          pl.BlockSpec((n_feat, n_feat), lambda i: (0, 0)),
          pl.BlockSpec((1, n_feat), lambda i: (0, 0)),
      ],
      out_specs=pl.BlockSpec((blk, n_feat), lambda i: (i, 0)),
      out_shape=jax.ShapeDtypeStruct((n, n_feat), jnp.float32),
  )
  h = layer1(aggp1, degp, x, W1_neigh.T, W1_self.T, b1.reshape(1, -1))

  aggp2 = sc_agg(h, src4, dst4, z2d)

  layer2 = pl.pallas_call(
      _tc_layer2,
      grid=grid,
      in_specs=[
          pl.BlockSpec((NC, blk, n_feat), lambda i: (0, i, 0)),
          pl.BlockSpec((NC, blk, 1), lambda i: (0, i, 0)),
          pl.BlockSpec((blk, n_feat), lambda i: (i, 0)),
          pl.BlockSpec((n_feat, n_feat), lambda i: (0, 0)),
          pl.BlockSpec((n_feat, n_feat), lambda i: (0, 0)),
          pl.BlockSpec((1, n_feat), lambda i: (0, 0)),
          pl.BlockSpec((n_feat, n_cls), lambda i: (0, 0)),
          pl.BlockSpec((1, n_cls), lambda i: (0, 0)),
      ],
      out_specs=pl.BlockSpec((blk, n_cls), lambda i: (i, 0)),
      out_shape=jax.ShapeDtypeStruct((n, n_cls), jnp.float32),
  )
  out = layer2(aggp2, degp, h, W2_neigh.T, W2_self.T, b2.reshape(1, -1),
               Wc.T, bc.reshape(1, -1))
  return out

# --- scband reference (transcript-rebuilt; emitter-appended) ---
"""Pipeline reference for scband-sage-74345883894183 (READ-ONLY COPY).

The authoritative reference and input builder live on the scoring server;
editing this copy changes nothing except your own understanding.
"""

import jax, jax.numpy as jnp
import numpy as np

N = 10000
E = 320000
NFEAT = 128
NHID = 128
NCLS = 64


def setup_inputs(seed: int = 0) -> dict:
    key = jax.random.key(seed)
    ks = jax.random.split(key, 12)
    x = jax.random.normal(ks[0], (N, NFEAT), dtype=jnp.float32)
    edge_index = jax.random.randint(ks[1], (2, E), 0, N)
    s1 = 1.0 / np.sqrt(NFEAT)
    s2 = 1.0 / np.sqrt(NHID)
    W1_neigh = jax.random.normal(ks[2], (NHID, NFEAT), dtype=jnp.float32) * s1
    W1_self = jax.random.normal(ks[3], (NHID, NFEAT), dtype=jnp.float32) * s1
    b1 = jnp.zeros((NHID,), dtype=jnp.float32)
    W2_neigh = jax.random.normal(ks[4], (NHID, NHID), dtype=jnp.float32) * s2
    W2_self = jax.random.normal(ks[5], (NHID, NHID), dtype=jnp.float32) * s2
    b2 = jnp.zeros((NHID,), dtype=jnp.float32)
    Wc = jax.random.normal(ks[6], (NCLS, NHID), dtype=jnp.float32) * s2
    bc = jnp.zeros((NCLS,), dtype=jnp.float32)
    return {"x": x, "edge_index": edge_index, "W1_neigh": W1_neigh, "W1_self": W1_self, "b1": b1,
            "W2_neigh": W2_neigh, "W2_self": W2_self, "b2": b2, "Wc": Wc, "bc": bc}


def _sage_conv(x, edge_index, W_neigh, W_self, b):
    # SAGEConv with mean aggregation: out = lin_neigh(mean_j x_j) + lin_self(x_i) + b
    src = edge_index[0]
    dst = edge_index[1]
    n = x.shape[0]
    msg = jnp.take(x, src, axis=0)                      # gather (SparseCore)
    agg = jax.ops.segment_sum(msg, dst, num_segments=n) # scatter-add
    deg = jax.ops.segment_sum(jnp.ones((dst.shape[0],), dtype=x.dtype), dst, num_segments=n)
    mean = agg / jnp.clip(deg, 1.0)[:, None]
    return mean @ W_neigh.T + x @ W_self.T + b


def reference(x, edge_index, W1_neigh, W1_self, b1, W2_neigh, W2_self, b2, Wc, bc):
    h = jax.nn.relu(_sage_conv(x, edge_index, W1_neigh, W1_self, b1))
    h = jax.nn.relu(_sage_conv(h, edge_index, W2_neigh, W2_self, b2))
    out = h @ Wc.T + bc
    return out

if __name__ == "__main__":
    import jax
    _d = setup_inputs()
    print(jax.jit(kernel)(*tuple(_d.values())))

</pallas_src>

<mosaic_0001>
#map = affine_map<(d0, d1) -> (0, 0)>
#map1 = affine_map<(d0, d1) -> (0, 0, 0)>
module attributes {stable_mosaic.version = 14 : i64} {
  func.func @body(%arg0: i32, %arg1: i32, %arg2: memref<10000x128xf32, #tpu.memory_space<hbm>>, %arg3: memref<2x81x2048xi32, #tpu.memory_space<hbm>>, %arg4: memref<2x81x2048xi32, #tpu.memory_space<hbm>>, %arg5: memref<632x128xf32, #tpu.memory_space<hbm>>, %arg6: memref<2x10112x128xf32, #tpu.memory_space<hbm>>, %arg7: memref<81x128xi32, #tpu.memory_space<vmem>>, %arg8: memref<81x128xi32, #tpu.memory_space<vmem>>, %arg9: memref<128x128xf32, #tpu.memory_space<vmem>>, %arg10: memref<10112x128xf32, #tpu.memory_space<vmem_shared>>) attributes {dimension_semantics = [#tpu.dimension_semantics<core_parallel>, #tpu.dimension_semantics<subcore_parallel>], iteration_bounds = array<i64: 2, 16>, scalar_prefetch = 0 : i64, scratch_operands = 4 : i64, tpu.core_type = #tpu.core_type<sc_vector_subcore>, window_params = [{transform_indices = #map}, {transform_indices = #map1}, {transform_indices = #map1}, {transform_indices = #map}, {transform_indices = #map1}]} {
    %mul3A = arith.constant 632 : i32
    %mul3A_0 = arith.muli %arg1, %mul3A : i32
    %eq3A = arith.constant 0 : i32
    %eq3A_1 = arith.cmpi eq, %arg0, %eq3A : i32
    %jit3A = arith.constant 1296 : i32
    %jit3A_2 = arith.constant 1204 : i32
    %select_n3A = arith.select %eq3A_1, %jit3A, %jit3A_2 : i32
    %sub3A = arith.subi %select_n3A, %arg1 : i32
    %add3A = arith.constant 16 : i32
    %add3A_3 = arith.addi %sub3A, %add3A : i32
    %sub3A_4 = arith.constant 1 : i32
    %sub3A_5 = arith.subi %add3A_3, %sub3A_4 : i32
    %jit3A_6 = arith.constant 16 : i32
    %div3A = arith.divsi %sub3A_5, %jit3A_6 : i32
    %sign3A = arith.constant 0 : i32
    %sign3A_7 = arith.cmpi sgt, %sub3A_5, %sign3A : i32
    %sign3A_8 = arith.extui %sign3A_7 : i1 to i32
    %sign3A_9 = arith.constant 0 : i32
    %sign3A_10 = arith.cmpi slt, %sub3A_5, %sign3A_9 : i32
    %sign3A_11 = arith.extui %sign3A_10 : i1 to i32
    %sign3A_12 = arith.subi %sign3A_8, %sign3A_11 : i32
    %sign3A_13 = arith.constant 0 : i32
    %sign3A_14 = arith.cmpi sgt, %jit3A_6, %sign3A_13 : i32
    %sign3A_15 = arith.extui %sign3A_14 : i1 to i32
    %sign3A_16 = arith.constant 0 : i32
    %sign3A_17 = arith.cmpi slt, %jit3A_6, %sign3A_16 : i32
    %sign3A_18 = arith.extui %sign3A_17 : i1 to i32
    %sign3A_19 = arith.subi %sign3A_15, %sign3A_18 : i32
    %ne3A = arith.cmpi ne, %sign3A_12, %sign3A_19 : i32
    %rem3A = arith.remsi %sub3A_5, %jit3A_6 : i32
    %ne3A_20 = arith.constant 0 : i32
    %ne3A_21 = arith.cmpi ne, %rem3A, %ne3A_20 : i32
    %and3A = arith.andi %ne3A, %ne3A_21 : i1
    %sub3A_22 = arith.constant 1 : i32
    %sub3A_23 = arith.subi %div3A, %sub3A_22 : i32
    %select_n3A_24 = arith.select %and3A, %sub3A_23, %div3A : i32
    "tpu.region"() ({
      %run_scoped3A = tpu.sem_alloc : memref<!tpu.dma_semaphore, #tpu.memory_space<semaphore_mem>>
      %dma_start3A = arith.constant 0 : i32
      %dma_start3A_39 = tpu.memref_slice %arg10[%mul3A_0, %dma_start3A] : memref<10112x128xf32, #tpu.memory_space<vmem_shared>> -> memref<632x128xf32, #tpu.memory_space<vmem_shared>>
      tpu.enqueue_dma source(%arg5 : memref<632x128xf32, #tpu.memory_space<hbm>>) target(%dma_start3A_39 : memref<632x128xf32, #tpu.memory_space<vmem_shared>>) target_semaphore(%run_scoped3A : memref<!tpu.dma_semaphore, #tpu.memory_space<semaphore_mem>>)
      %dma_wait3A = arith.constant 0 : i32
      %dma_wait3A_40 = tpu.memref_slice %arg10[%mul3A_0, %dma_wait3A] : memref<10112x128xf32, #tpu.memory_space<vmem_shared>> -> memref<632x128xf32, #tpu.memory_space<vmem_shared>>
      tpu.wait_dma2 semaphore(%run_scoped3A : memref<!tpu.dma_semaphore, #tpu.memory_space<semaphore_mem>>) src(%arg5 : memref<632x128xf32, #tpu.memory_space<hbm>>) dst(%dma_wait3A_40 : memref<632x128xf32, #tpu.memory_space<vmem_shared>>)
      tpu.yield
    }) : () -> ()
    %barrier3A = arith.constant 0 : index
    tpu.barrier barrier_id(%barrier3A)
    %mul3A_25 = arith.constant 128 : i32
    %mul3A_26 = arith.muli %arg1, %mul3A_25 : i32
    "tpu.region"() ({
      %run_scoped3A = tpu.sem_alloc : memref<!tpu.dma_semaphore, #tpu.memory_space<semaphore_mem>>
      %dma_start3A = arith.constant 0 : i32
      %dma_start3A_39 = tpu.memref_slice %arg3[%arg0, %dma_start3A, %mul3A_26] : memref<2x81x2048xi32, #tpu.memory_space<hbm>> -> memref<1x81x128xi32, #tpu.memory_space<hbm>>
      %dma_start3A_40 = tpu.memref_squeeze %dma_start3A_39 : memref<1x81x128xi32, #tpu.memory_space<hbm>> -> memref<81x128xi32, #tpu.memory_space<hbm>>
      %dma_start3A_41 = arith.constant 0 : i32
      %dma_start3A_42 = tpu.memref_slice %arg3[%arg0, %dma_start3A_41, %mul3A_26] : memref<2x81x2048xi32, #tpu.memory_space<hbm>> -> memref<1x81x128xi32, #tpu.memory_space<hbm>>
      %dma_start3A_43 = tpu.memref_squeeze %dma_start3A_42 : memref<1x81x128xi32, #tpu.memory_space<hbm>> -> memref<81x128xi32, #tpu.memory_space<hbm>>
      tpu.enqueue_dma source(%dma_start3A_43 : memref<81x128xi32, #tpu.memory_space<hbm>>) target(%arg7 : memref<81x128xi32, #tpu.memory_space<vmem>>) target_semaphore(%run_scoped3A : memref<!tpu.dma_semaphore, #tpu.memory_space<semaphore_mem>>)
      %dma_wait3A = arith.constant 0 : i32
      %dma_wait3A_44 = tpu.memref_slice %arg3[%arg0, %dma_wait3A, %mul3A_26] : memref<2x81x2048xi32, #tpu.memory_space<hbm>> -> memref<1x81x128xi32, #tpu.memory_space<hbm>>
      %dma_wait3A_45 = tpu.memref_squeeze %dma_wait3A_44 : memref<1x81x128xi32, #tpu.memory_space<hbm>> -> memref<81x128xi32, #tpu.memory_space<hbm>>
      %dma_wait3A_46 = arith.constant 0 : i32
      %dma_wait3A_47 = tpu.memref_slice %arg3[%arg0, %dma_wait3A_46, %mul3A_26] : memref<2x81x2048xi32, #tpu.memory_space<hbm>> -> memref<1x81x128xi32, #tpu.memory_space<hbm>>
      %dma_wait3A_48 = tpu.memref_squeeze %dma_wait3A_47 : memref<1x81x128xi32, #tpu.memory_space<hbm>> -> memref<81x128xi32, #tpu.memory_space<hbm>>
      tpu.wait_dma2 semaphore(%run_scoped3A : memref<!tpu.dma_semaphore, #tpu.memory_space<semaphore_mem>>) src(%dma_wait3A_48 : memref<81x128xi32, #tpu.memory_space<hbm>>) dst(%arg7 : memref<81x128xi32, #tpu.memory_space<vmem>>)
      tpu.yield
    }) : () -> ()
    %mul3A_27 = arith.constant 128 : i32
    %mul3A_28 = arith.muli %arg1, %mul3A_27 : i32
    "tpu.region"() ({
      %run_scoped3A = tpu.sem_alloc : memref<!tpu.dma_semaphore, #tpu.memory_space<semaphore_mem>>
      %dma_start3A = arith.constant 0 : i32
      %dma_start3A_39 = tpu.memref_slice %arg4[%arg0, %dma_start3A, %mul3A_28] : memref<2x81x2048xi32, #tpu.memory_space<hbm>> -> memref<1x81x128xi32, #tpu.memory_space<hbm>>
      %dma_start3A_40 = tpu.memref_squeeze %dma_start3A_39 : memref<1x81x128xi32, #tpu.memory_space<hbm>> -> memref<81x128xi32, #tpu.memory_space<hbm>>
      %dma_start3A_41 = arith.constant 0 : i32
      %dma_start3A_42 = tpu.memref_slice %arg4[%arg0, %dma_start3A_41, %mul3A_28] : memref<2x81x2048xi32, #tpu.memory_space<hbm>> -> memref<1x81x128xi32, #tpu.memory_space<hbm>>
      %dma_start3A_43 = tpu.memref_squeeze %dma_start3A_42 : memref<1x81x128xi32, #tpu.memory_space<hbm>> -> memref<81x128xi32, #tpu.memory_space<hbm>>
      tpu.enqueue_dma source(%dma_start3A_43 : memref<81x128xi32, #tpu.memory_space<hbm>>) target(%arg8 : memref<81x128xi32, #tpu.memory_space<vmem>>) target_semaphore(%run_scoped3A : memref<!tpu.dma_semaphore, #tpu.memory_space<semaphore_mem>>)
      %dma_wait3A = arith.constant 0 : i32
      %dma_wait3A_44 = tpu.memref_slice %arg4[%arg0, %dma_wait3A, %mul3A_28] : memref<2x81x2048xi32, #tpu.memory_space<hbm>> -> memref<1x81x128xi32, #tpu.memory_space<hbm>>
      %dma_wait3A_45 = tpu.memref_squeeze %dma_wait3A_44 : memref<1x81x128xi32, #tpu.memory_space<hbm>> -> memref<81x128xi32, #tpu.memory_space<hbm>>
      %dma_wait3A_46 = arith.constant 0 : i32
      %dma_wait3A_47 = tpu.memref_slice %arg4[%arg0, %dma_wait3A_46, %mul3A_28] : memref<2x81x2048xi32, #tpu.memory_space<hbm>> -> memref<1x81x128xi32, #tpu.memory_space<hbm>>
      %dma_wait3A_48 = tpu.memref_squeeze %dma_wait3A_47 : memref<1x81x128xi32, #tpu.memory_space<hbm>> -> memref<81x128xi32, #tpu.memory_space<hbm>>
      tpu.wait_dma2 semaphore(%run_scoped3A : memref<!tpu.dma_semaphore, #tpu.memory_space<semaphore_mem>>) src(%dma_wait3A_48 : memref<81x128xi32, #tpu.memory_space<hbm>>) dst(%arg8 : memref<81x128xi32, #tpu.memory_space<vmem>>)
      tpu.yield
    }) : () -> ()
    %while3A = arith.constant 0 : i32
    %while3A_29 = arith.constant 0 : i32
    %while3A_30 = arith.subi %select_n3A_24, %while3A_29 : i32
    %while3A_31 = arith.addi %while3A_29, %while3A_30 : i32
    %while3A_32 = arith.constant 1 : i32
    %while3A_33 = arith.divsi %while3A_30, %while3A_32 : i32
    %while3A_34 = arith.muli %while3A_33, %while3A_32 : i32
    %while3A_35 = arith.addi %while3A_29, %while3A_34 : i32
    %while3A_36 = arith.constant 1 : i32
    scf.for %while3A_39 = %while3A_29 to %while3A_35 step %while3A_36  : i32 {
      "tpu.region"() ({
        %run_scoped3A = tpu.sem_alloc : memref<!tpu.dma_semaphore, #tpu.memory_space<semaphore_mem>>
        %dma_start3A = arith.constant 0 : i32
        %dma_start3A_40 = tpu.memref_slice %arg7[%while3A_39, %dma_start3A] : memref<81x128xi32, #tpu.memory_space<vmem>> -> memref<1x128xi32, #tpu.memory_space<vmem>>
        %dma_start3A_41 = tpu.memref_squeeze %dma_start3A_40 : memref<1x128xi32, #tpu.memory_space<vmem>> -> memref<128xi32, #tpu.memory_space<vmem>>
        %dma_start3A_42 = arith.constant 0 : i32
        %dma_start3A_43 = arith.constant 0 : i32
        %dma_start3A_44 = tpu.memref_slice %arg2[%dma_start3A_42, %dma_start3A_43] : memref<10000x128xf32, #tpu.memory_space<hbm>> -> memref<10000x128xf32, #tpu.memory_space<hbm>>
        tpu.enqueue_indirect_dma source(%dma_start3A_44 : memref<10000x128xf32, #tpu.memory_space<hbm>>) target(%arg9 : memref<128x128xf32, #tpu.memory_space<vmem>>) offsets(%dma_start3A_41 : memref<128xi32, #tpu.memory_space<vmem>>) semaphore(%run_scoped3A : memref<!tpu.dma_semaphore, #tpu.memory_space<semaphore_mem>>)
        %dma_wait3A = arith.constant 0 : i32
        %dma_wait3A_45 = tpu.memref_slice %arg7[%while3A_39, %dma_wait3A] : memref<81x128xi32, #tpu.memory_space<vmem>> -> memref<1x128xi32, #tpu.memory_space<vmem>>
        %dma_wait3A_46 = tpu.memref_squeeze %dma_wait3A_45 : memref<1x128xi32, #tpu.memory_space<vmem>> -> memref<128xi32, #tpu.memory_space<vmem>>
        %dma_wait3A_47 = arith.constant 0 : i32
        %dma_wait3A_48 = arith.constant 0 : i32
        %dma_wait3A_49 = tpu.memref_slice %arg2[%dma_wait3A_47, %dma_wait3A_48] : memref<10000x128xf32, #tpu.memory_space<hbm>> -> memref<10000x128xf32, #tpu.memory_space<hbm>>
        tpu.wait_indirect_dma semaphore(%run_scoped3A : memref<!tpu.dma_semaphore, #tpu.memory_space<semaphore_mem>>) src(%dma_wait3A_49 : memref<10000x128xf32, #tpu.memory_space<hbm>>) dst(%arg9 : memref<128x128xf32, #tpu.memory_space<vmem>>)
        tpu.yield
      }) : () -> ()
      "tpu.region"() ({
        %run_scoped3A = tpu.sem_alloc : memref<!tpu.dma_semaphore, #tpu.memory_space<semaphore_mem>>
        %dma_start3A = arith.constant 0 : i32
        %dma_start3A_40 = tpu.memref_slice %arg8[%while3A_39, %dma_start3A] : memref<81x128xi32, #tpu.memory_space<vmem>> -> memref<1x128xi32, #tpu.memory_space<vmem>>
        %dma_start3A_41 = tpu.memref_squeeze %dma_start3A_40 : memref<1x128xi32, #tpu.memory_space<vmem>> -> memref<128xi32, #tpu.memory_space<vmem>>
        %dma_start3A_42 = arith.constant 0 : i32
        %dma_start3A_43 = arith.constant 0 : i32
        %dma_start3A_44 = tpu.memref_slice %arg10[%dma_start3A_42, %dma_start3A_43] : memref<10112x128xf32, #tpu.memory_space<vmem_shared>> -> memref<10112x128xf32, #tpu.memory_space<vmem_shared>>
        tpu.enqueue_indirect_dma source(%arg9 : memref<128x128xf32, #tpu.memory_space<vmem>>) target(%dma_start3A_44 : memref<10112x128xf32, #tpu.memory_space<vmem_shared>>) offsets(%dma_start3A_41 : memref<128xi32, #tpu.memory_space<vmem>>) semaphore(%run_scoped3A : memref<!tpu.dma_semaphore, #tpu.memory_space<semaphore_mem>>) {add = true}
        %dma_wait3A = arith.constant 0 : i32
        %dma_wait3A_45 = tpu.memref_slice %arg8[%while3A_39, %dma_wait3A] : memref<81x128xi32, #tpu.memory_space<vmem>> -> memref<1x128xi32, #tpu.memory_space<vmem>>
        %dma_wait3A_46 = tpu.memref_squeeze %dma_wait3A_45 : memref<1x128xi32, #tpu.memory_space<vmem>> -> memref<128xi32, #tpu.memory_space<vmem>>
        %dma_wait3A_47 = arith.constant 0 : i32
        %dma_wait3A_48 = arith.constant 0 : i32
        %dma_wait3A_49 = tpu.memref_slice %arg10[%dma_wait3A_47, %dma_wait3A_48] : memref<10112x128xf32, #tpu.memory_space<vmem_shared>> -> memref<10112x128xf32, #tpu.memory_space<vmem_shared>>
        tpu.wait_indirect_dma semaphore(%run_scoped3A : memref<!tpu.dma_semaphore, #tpu.memory_space<semaphore_mem>>) src(%arg9 : memref<128x128xf32, #tpu.memory_space<vmem>>) dst(%dma_wait3A_49 : memref<10112x128xf32, #tpu.memory_space<vmem_shared>>)
        tpu.yield
      }) : () -> ()
    }
    %while3A_37 = arith.constant 1 : i32
    scf.for %while3A_39 = %while3A_35 to %while3A_31 step %while3A_37  : i32 {
      "tpu.region"() ({
        %run_scoped3A = tpu.sem_alloc : memref<!tpu.dma_semaphore, #tpu.memory_space<semaphore_mem>>
        %dma_start3A = arith.constant 0 : i32
        %dma_start3A_40 = tpu.memref_slice %arg7[%while3A_39, %dma_start3A] : memref<81x128xi32, #tpu.memory_space<vmem>> -> memref<1x128xi32, #tpu.memory_space<vmem>>
        %dma_start3A_41 = tpu.memref_squeeze %dma_start3A_40 : memref<1x128xi32, #tpu.memory_space<vmem>> -> memref<128xi32, #tpu.memory_space<vmem>>
        %dma_start3A_42 = arith.constant 0 : i32
        %dma_start3A_43 = arith.constant 0 : i32
        %dma_start3A_44 = tpu.memref_slice %arg2[%dma_start3A_42, %dma_start3A_43] : memref<10000x128xf32, #tpu.memory_space<hbm>> -> memref<10000x128xf32, #tpu.memory_space<hbm>>
        tpu.enqueue_indirect_dma source(%dma_start3A_44 : memref<10000x128xf32, #tpu.memory_space<hbm>>) target(%arg9 : memref<128x128xf32, #tpu.memory_space<vmem>>) offsets(%dma_start3A_41 : memref<128xi32, #tpu.memory_space<vmem>>) semaphore(%run_scoped3A : memref<!tpu.dma_semaphore, #tpu.memory_space<semaphore_mem>>)
        %dma_wait3A = arith.constant 0 : i32
        %dma_wait3A_45 = tpu.memref_slice %arg7[%while3A_39, %dma_wait3A] : memref<81x128xi32, #tpu.memory_space<vmem>> -> memref<1x128xi32, #tpu.memory_space<vmem>>
        %dma_wait3A_46 = tpu.memref_squeeze %dma_wait3A_45 : memref<1x128xi32, #tpu.memory_space<vmem>> -> memref<128xi32, #tpu.memory_space<vmem>>
        %dma_wait3A_47 = arith.constant 0 : i32
        %dma_wait3A_48 = arith.constant 0 : i32
        %dma_wait3A_49 = tpu.memref_slice %arg2[%dma_wait3A_47, %dma_wait3A_48] : memref<10000x128xf32, #tpu.memory_space<hbm>> -> memref<10000x128xf32, #tpu.memory_space<hbm>>
        tpu.wait_indirect_dma semaphore(%run_scoped3A : memref<!tpu.dma_semaphore, #tpu.memory_space<semaphore_mem>>) src(%dma_wait3A_49 : memref<10000x128xf32, #tpu.memory_space<hbm>>) dst(%arg9 : memref<128x128xf32, #tpu.memory_space<vmem>>)
        tpu.yield
      }) : () -> ()
      "tpu.region"() ({
        %run_scoped3A = tpu.sem_alloc : memref<!tpu.dma_semaphore, #tpu.memory_space<semaphore_mem>>
        %dma_start3A = arith.constant 0 : i32
        %dma_start3A_40 = tpu.memref_slice %arg8[%while3A_39, %dma_start3A] : memref<81x128xi32, #tpu.memory_space<vmem>> -> memref<1x128xi32, #tpu.memory_space<vmem>>
        %dma_start3A_41 = tpu.memref_squeeze %dma_start3A_40 : memref<1x128xi32, #tpu.memory_space<vmem>> -> memref<128xi32, #tpu.memory_space<vmem>>
        %dma_start3A_42 = arith.constant 0 : i32
        %dma_start3A_43 = arith.constant 0 : i32
        %dma_start3A_44 = tpu.memref_slice %arg10[%dma_start3A_42, %dma_start3A_43] : memref<10112x128xf32, #tpu.memory_space<vmem_shared>> -> memref<10112x128xf32, #tpu.memory_space<vmem_shared>>
        tpu.enqueue_indirect_dma source(%arg9 : memref<128x128xf32, #tpu.memory_space<vmem>>) target(%dma_start3A_44 : memref<10112x128xf32, #tpu.memory_space<vmem_shared>>) offsets(%dma_start3A_41 : memref<128xi32, #tpu.memory_space<vmem>>) semaphore(%run_scoped3A : memref<!tpu.dma_semaphore, #tpu.memory_space<semaphore_mem>>) {add = true}
        %dma_wait3A = arith.constant 0 : i32
        %dma_wait3A_45 = tpu.memref_slice %arg8[%while3A_39, %dma_wait3A] : memref<81x128xi32, #tpu.memory_space<vmem>> -> memref<1x128xi32, #tpu.memory_space<vmem>>
        %dma_wait3A_46 = tpu.memref_squeeze %dma_wait3A_45 : memref<1x128xi32, #tpu.memory_space<vmem>> -> memref<128xi32, #tpu.memory_space<vmem>>
        %dma_wait3A_47 = arith.constant 0 : i32
        %dma_wait3A_48 = arith.constant 0 : i32
        %dma_wait3A_49 = tpu.memref_slice %arg10[%dma_wait3A_47, %dma_wait3A_48] : memref<10112x128xf32, #tpu.memory_space<vmem_shared>> -> memref<10112x128xf32, #tpu.memory_space<vmem_shared>>
        tpu.wait_indirect_dma semaphore(%run_scoped3A : memref<!tpu.dma_semaphore, #tpu.memory_space<semaphore_mem>>) src(%arg9 : memref<128x128xf32, #tpu.memory_space<vmem>>) dst(%dma_wait3A_49 : memref<10112x128xf32, #tpu.memory_space<vmem_shared>>)
        tpu.yield
      }) : () -> ()
    }
    %barrier3A_38 = arith.constant 0 : index
    tpu.barrier barrier_id(%barrier3A_38)
    "tpu.region"() ({
      %run_scoped3A = tpu.sem_alloc : memref<!tpu.dma_semaphore, #tpu.memory_space<semaphore_mem>>
      %dma_start3A = arith.constant 0 : i32
      %dma_start3A_39 = tpu.memref_slice %arg6[%arg0, %mul3A_0, %dma_start3A] : memref<2x10112x128xf32, #tpu.memory_space<hbm>> -> memref<1x632x128xf32, #tpu.memory_space<hbm>>
      %dma_start3A_40 = tpu.memref_squeeze %dma_start3A_39 : memref<1x632x128xf32, #tpu.memory_space<hbm>> -> memref<632x128xf32, #tpu.memory_space<hbm>>
      %dma_start3A_41 = arith.constant 0 : i32
      %dma_start3A_42 = tpu.memref_slice %arg10[%mul3A_0, %dma_start3A_41] : memref<10112x128xf32, #tpu.memory_space<vmem_shared>> -> memref<632x128xf32, #tpu.memory_space<vmem_shared>>
      tpu.enqueue_dma source(%dma_start3A_42 : memref<632x128xf32, #tpu.memory_space<vmem_shared>>) target(%dma_start3A_40 : memref<632x128xf32, #tpu.memory_space<hbm>>) target_semaphore(%run_scoped3A : memref<!tpu.dma_semaphore, #tpu.memory_space<semaphore_mem>>)
      %dma_wait3A = arith.constant 0 : i32
      %dma_wait3A_43 = tpu.memref_slice %arg6[%arg0, %mul3A_0, %dma_wait3A] : memref<2x10112x128xf32, #tpu.memory_space<hbm>> -> memref<1x632x128xf32, #tpu.memory_space<hbm>>
      %dma_wait3A_44 = tpu.memref_squeeze %dma_wait3A_43 : memref<1x632x128xf32, #tpu.memory_space<hbm>> -> memref<632x128xf32, #tpu.memory_space<hbm>>
      %dma_wait3A_45 = arith.constant 0 : i32
      %dma_wait3A_46 = tpu.memref_slice %arg10[%mul3A_0, %dma_wait3A_45] : memref<10112x128xf32, #tpu.memory_space<vmem_shared>> -> memref<632x128xf32, #tpu.memory_space<vmem_shared>>
      tpu.wait_dma2 semaphore(%run_scoped3A : memref<!tpu.dma_semaphore, #tpu.memory_space<semaphore_mem>>) src(%dma_wait3A_46 : memref<632x128xf32, #tpu.memory_space<vmem_shared>>) dst(%dma_wait3A_44 : memref<632x128xf32, #tpu.memory_space<hbm>>)
      tpu.yield
    }) : () -> ()
    return
  }
}

#map = affine_map<(d0, d1) -> (0, 0, 0)>
#map1 = affine_map<(d0, d1) -> (0)>
module attributes {stable_mosaic.version = 14 : i64} {
  func.func @body(%arg0: i32, %arg1: i32, %arg2: memref<2x81x2048xi32, #tpu.memory_space<hbm>>, %arg3: memref<632xf32, #tpu.memory_space<hbm>>, %arg4: memref<128xf32, #tpu.memory_space<hbm>>, %arg5: memref<20224xf32, #tpu.memory_space<hbm>>, %arg6: memref<81x128xi32, #tpu.memory_space<vmem>>, %arg7: memref<128xf32, #tpu.memory_space<vmem>>, %arg8: memref<632xf32, #tpu.memory_space<vmem>>, %arg9: memref<10112xf32, #tpu.memory_space<vmem_shared>>) attributes {dimension_semantics = [#tpu.dimension_semantics<core_parallel>, #tpu.dimension_semantics<subcore_parallel>], iteration_bounds = array<i64: 2, 16>, scalar_prefetch = 0 : i64, scratch_operands = 4 : i64, tpu.core_type = #tpu.core_type<sc_vector_subcore>, window_params = [{transform_indices = #map}, {transform_indices = #map1}, {transform_indices = #map1}, {transform_indices = #map1}]} {
    %mul3A = arith.constant 632 : i32
    %mul3A_0 = arith.muli %arg1, %mul3A : i32
    %eq3A = arith.constant 0 : i32
    %eq3A_1 = arith.cmpi eq, %arg0, %eq3A : i32
    %jit3A = arith.constant 1296 : i32
    %jit3A_2 = arith.constant 1204 : i32
    %select_n3A = arith.select %eq3A_1, %jit3A, %jit3A_2 : i32
    %sub3A = arith.subi %select_n3A, %arg1 : i32
    %add3A = arith.constant 16 : i32
    %add3A_3 = arith.addi %sub3A, %add3A : i32
    %sub3A_4 = arith.constant 1 : i32
    %sub3A_5 = arith.subi %add3A_3, %sub3A_4 : i32
    %jit3A_6 = arith.constant 16 : i32
    %div3A = arith.divsi %sub3A_5, %jit3A_6 : i32
    %sign3A = arith.constant 0 : i32
    %sign3A_7 = arith.cmpi sgt, %sub3A_5, %sign3A : i32
    %sign3A_8 = arith.extui %sign3A_7 : i1 to i32
    %sign3A_9 = arith.constant 0 : i32
    %sign3A_10 = arith.cmpi slt, %sub3A_5, %sign3A_9 : i32
    %sign3A_11 = arith.extui %sign3A_10 : i1 to i32
    %sign3A_12 = arith.subi %sign3A_8, %sign3A_11 : i32
    %sign3A_13 = arith.constant 0 : i32
    %sign3A_14 = arith.cmpi sgt, %jit3A_6, %sign3A_13 : i32
    %sign3A_15 = arith.extui %sign3A_14 : i1 to i32
    %sign3A_16 = arith.constant 0 : i32
    %sign3A_17 = arith.cmpi slt, %jit3A_6, %sign3A_16 : i32
    %sign3A_18 = arith.extui %sign3A_17 : i1 to i32
    %sign3A_19 = arith.subi %sign3A_15, %sign3A_18 : i32
    %ne3A = arith.cmpi ne, %sign3A_12, %sign3A_19 : i32
    %rem3A = arith.remsi %sub3A_5, %jit3A_6 : i32
    %ne3A_20 = arith.constant 0 : i32
    %ne3A_21 = arith.cmpi ne, %rem3A, %ne3A_20 : i32
    %and3A = arith.andi %ne3A, %ne3A_21 : i1
    %sub3A_22 = arith.constant 1 : i32
    %sub3A_23 = arith.subi %div3A, %sub3A_22 : i32
    %select_n3A_24 = arith.select %and3A, %sub3A_23, %div3A : i32
    "tpu.region"() ({
      %run_scoped3A = tpu.sem_alloc : memref<!tpu.dma_semaphore, #tpu.memory_space<semaphore_mem>>
      tpu.enqueue_dma source(%arg3 : memref<632xf32, #tpu.memory_space<hbm>>) target(%arg8 : memref<632xf32, #tpu.memory_space<vmem>>) target_semaphore(%run_scoped3A : memref<!tpu.dma_semaphore, #tpu.memory_space<semaphore_mem>>)
      tpu.wait_dma2 semaphore(%run_scoped3A : memref<!tpu.dma_semaphore, #tpu.memory_space<semaphore_mem>>) src(%arg3 : memref<632xf32, #tpu.memory_space<hbm>>) dst(%arg8 : memref<632xf32, #tpu.memory_space<vmem>>)
      tpu.yield
    }) : () -> ()
    "tpu.region"() ({
      %run_scoped3A = tpu.sem_alloc : memref<!tpu.dma_semaphore, #tpu.memory_space<semaphore_mem>>
      %dma_start3A = tpu.memref_slice %arg9[%mul3A_0] : memref<10112xf32, #tpu.memory_space<vmem_shared>> -> memref<632xf32, #tpu.memory_space<vmem_shared>>
      %dma_start3A_40 = tpu.memref_slice %arg9[%mul3A_0] : memref<10112xf32, #tpu.memory_space<vmem_shared>> -> memref<632xf32, #tpu.memory_space<vmem_shared>>
      tpu.enqueue_dma source(%arg8 : memref<632xf32, #tpu.memory_space<vmem>>) target(%dma_start3A_40 : memref<632xf32, #tpu.memory_space<vmem_shared>>) target_semaphore(%run_scoped3A : memref<!tpu.dma_semaphore, #tpu.memory_space<semaphore_mem>>)
      %dma_wait3A = tpu.memref_slice %arg9[%mul3A_0] : memref<10112xf32, #tpu.memory_space<vmem_shared>> -> memref<632xf32, #tpu.memory_space<vmem_shared>>
      %dma_wait3A_41 = tpu.memref_slice %arg9[%mul3A_0] : memref<10112xf32, #tpu.memory_space<vmem_shared>> -> memref<632xf32, #tpu.memory_space<vmem_shared>>
      tpu.wait_dma2 semaphore(%run_scoped3A : memref<!tpu.dma_semaphore, #tpu.memory_space<semaphore_mem>>) src(%arg8 : memref<632xf32, #tpu.memory_space<vmem>>) dst(%dma_wait3A_41 : memref<632xf32, #tpu.memory_space<vmem_shared>>)
      tpu.yield
    }) : () -> ()
    "tpu.region"() ({
      %run_scoped3A = tpu.sem_alloc : memref<!tpu.dma_semaphore, #tpu.memory_space<semaphore_mem>>
      tpu.enqueue_dma source(%arg4 : memref<128xf32, #tpu.memory_space<hbm>>) target(%arg7 : memref<128xf32, #tpu.memory_space<vmem>>) target_semaphore(%run_scoped3A : memref<!tpu.dma_semaphore, #tpu.memory_space<semaphore_mem>>)
      tpu.wait_dma2 semaphore(%run_scoped3A : memref<!tpu.dma_semaphore, #tpu.memory_space<semaphore_mem>>) src(%arg4 : memref<128xf32, #tpu.memory_space<hbm>>) dst(%arg7 : memref<128xf32, #tpu.memory_space<vmem>>)
      tpu.yield
    }) : () -> ()
    %barrier3A = arith.constant 0 : index
    tpu.barrier barrier_id(%barrier3A)
    %mul3A_25 = arith.constant 128 : i32
    %mul3A_26 = arith.muli %arg1, %mul3A_25 : i32
    "tpu.region"() ({
      %run_scoped3A = tpu.sem_alloc : memref<!tpu.dma_semaphore, #tpu.memory_space<semaphore_mem>>
      %dma_start3A = arith.constant 0 : i32
      %dma_start3A_40 = tpu.memref_slice %arg2[%arg0, %dma_start3A, %mul3A_26] : memref<2x81x2048xi32, #tpu.memory_space<hbm>> -> memref<1x81x128xi32, #tpu.memory_space<hbm>>
      %dma_start3A_41 = tpu.memref_squeeze %dma_start3A_40 : memref<1x81x128xi32, #tpu.memory_space<hbm>> -> memref<81x128xi32, #tpu.memory_space<hbm>>
      %dma_start3A_42 = arith.constant 0 : i32
      %dma_start3A_43 = tpu.memref_slice %arg2[%arg0, %dma_start3A_42, %mul3A_26] : memref<2x81x2048xi32, #tpu.memory_space<hbm>> -> memref<1x81x128xi32, #tpu.memory_space<hbm>>
      %dma_start3A_44 = tpu.memref_squeeze %dma_start3A_43 : memref<1x81x128xi32, #tpu.memory_space<hbm>> -> memref<81x128xi32, #tpu.memory_space<hbm>>
      tpu.enqueue_dma source(%dma_start3A_44 : memref<81x128xi32, #tpu.memory_space<hbm>>) target(%arg6 : memref<81x128xi32, #tpu.memory_space<vmem>>) target_semaphore(%run_scoped3A : memref<!tpu.dma_semaphore, #tpu.memory_space<semaphore_mem>>)
      %dma_wait3A = arith.constant 0 : i32
      %dma_wait3A_45 = tpu.memref_slice %arg2[%arg0, %dma_wait3A, %mul3A_26] : memref<2x81x2048xi32, #tpu.memory_space<hbm>> -> memref<1x81x128xi32, #tpu.memory_space<hbm>>
      %dma_wait3A_46 = tpu.memref_squeeze %dma_wait3A_45 : memref<1x81x128xi32, #tpu.memory_space<hbm>> -> memref<81x128xi32, #tpu.memory_space<hbm>>
      %dma_wait3A_47 = arith.constant 0 : i32
      %dma_wait3A_48 = tpu.memref_slice %arg2[%arg0, %dma_wait3A_47, %mul3A_26] : memref<2x81x2048xi32, #tpu.memory_space<hbm>> -> memref<1x81x128xi32, #tpu.memory_space<hbm>>
      %dma_wait3A_49 = tpu.memref_squeeze %dma_wait3A_48 : memref<1x81x128xi32, #tpu.memory_space<hbm>> -> memref<81x128xi32, #tpu.memory_space<hbm>>
      tpu.wait_dma2 semaphore(%run_scoped3A : memref<!tpu.dma_semaphore, #tpu.memory_space<semaphore_mem>>) src(%dma_wait3A_49 : memref<81x128xi32, #tpu.memory_space<hbm>>) dst(%arg6 : memref<81x128xi32, #tpu.memory_space<vmem>>)
      tpu.yield
    }) : () -> ()
    %while3A = arith.constant 0 : i32
    %while3A_27 = arith.constant 0 : i32
    %while3A_28 = arith.subi %select_n3A_24, %while3A_27 : i32
    %while3A_29 = arith.addi %while3A_27, %while3A_28 : i32
    %while3A_30 = arith.constant 1 : i32
    %while3A_31 = arith.divsi %while3A_28, %while3A_30 : i32
    %while3A_32 = arith.muli %while3A_31, %while3A_30 : i32
    %while3A_33 = arith.addi %while3A_27, %while3A_32 : i32
    %while3A_34 = arith.constant 1 : i32
    scf.for %while3A_40 = %while3A_27 to %while3A_33 step %while3A_34  : i32 {
      "tpu.region"() ({
        %run_scoped3A = tpu.sem_alloc : memref<!tpu.dma_semaphore, #tpu.memory_space<semaphore_mem>>
        %dma_start3A = arith.constant 0 : i32
        %dma_start3A_41 = tpu.memref_slice %arg6[%while3A_40, %dma_start3A] : memref<81x128xi32, #tpu.memory_space<vmem>> -> memref<1x128xi32, #tpu.memory_space<vmem>>
        %dma_start3A_42 = tpu.memref_squeeze %dma_start3A_41 : memref<1x128xi32, #tpu.memory_space<vmem>> -> memref<128xi32, #tpu.memory_space<vmem>>
        %dma_start3A_43 = arith.constant 0 : i32
        %dma_start3A_44 = tpu.memref_slice %arg9[%dma_start3A_43] : memref<10112xf32, #tpu.memory_space<vmem_shared>> -> memref<10112xf32, #tpu.memory_space<vmem_shared>>
        tpu.enqueue_indirect_dma source(%arg7 : memref<128xf32, #tpu.memory_space<vmem>>) target(%dma_start3A_44 : memref<10112xf32, #tpu.memory_space<vmem_shared>>) offsets(%dma_start3A_42 : memref<128xi32, #tpu.memory_space<vmem>>) semaphore(%run_scoped3A : memref<!tpu.dma_semaphore, #tpu.memory_space<semaphore_mem>>) {add = true}
        %dma_wait3A = arith.constant 0 : i32
        %dma_wait3A_45 = tpu.memref_slice %arg6[%while3A_40, %dma_wait3A] : memref<81x128xi32, #tpu.memory_space<vmem>> -> memref<1x128xi32, #tpu.memory_space<vmem>>
        %dma_wait3A_46 = tpu.memref_squeeze %dma_wait3A_45 : memref<1x128xi32, #tpu.memory_space<vmem>> -> memref<128xi32, #tpu.memory_space<vmem>>
        %dma_wait3A_47 = arith.constant 0 : i32
        %dma_wait3A_48 = tpu.memref_slice %arg9[%dma_wait3A_47] : memref<10112xf32, #tpu.memory_space<vmem_shared>> -> memref<10112xf32, #tpu.memory_space<vmem_shared>>
        tpu.wait_indirect_dma semaphore(%run_scoped3A : memref<!tpu.dma_semaphore, #tpu.memory_space<semaphore_mem>>) src(%arg7 : memref<128xf32, #tpu.memory_space<vmem>>) dst(%dma_wait3A_48 : memref<10112xf32, #tpu.memory_space<vmem_shared>>)
        tpu.yield
      }) : () -> ()
    }
    %while3A_35 = arith.constant 1 : i32
    scf.for %while3A_40 = %while3A_33 to %while3A_29 step %while3A_35  : i32 {
      "tpu.region"() ({
        %run_scoped3A = tpu.sem_alloc : memref<!tpu.dma_semaphore, #tpu.memory_space<semaphore_mem>>
        %dma_start3A = arith.constant 0 : i32
        %dma_start3A_41 = tpu.memref_slice %arg6[%while3A_40, %dma_start3A] : memref<81x128xi32, #tpu.memory_space<vmem>> -> memref<1x128xi32, #tpu.memory_space<vmem>>
        %dma_start3A_42 = tpu.memref_squeeze %dma_start3A_41 : memref<1x128xi32, #tpu.memory_space<vmem>> -> memref<128xi32, #tpu.memory_space<vmem>>
        %dma_start3A_43 = arith.constant 0 : i32
        %dma_start3A_44 = tpu.memref_slice %arg9[%dma_start3A_43] : memref<10112xf32, #tpu.memory_space<vmem_shared>> -> memref<10112xf32, #tpu.memory_space<vmem_shared>>
        tpu.enqueue_indirect_dma source(%arg7 : memref<128xf32, #tpu.memory_space<vmem>>) target(%dma_start3A_44 : memref<10112xf32, #tpu.memory_space<vmem_shared>>) offsets(%dma_start3A_42 : memref<128xi32, #tpu.memory_space<vmem>>) semaphore(%run_scoped3A : memref<!tpu.dma_semaphore, #tpu.memory_space<semaphore_mem>>) {add = true}
        %dma_wait3A = arith.constant 0 : i32
        %dma_wait3A_45 = tpu.memref_slice %arg6[%while3A_40, %dma_wait3A] : memref<81x128xi32, #tpu.memory_space<vmem>> -> memref<1x128xi32, #tpu.memory_space<vmem>>
        %dma_wait3A_46 = tpu.memref_squeeze %dma_wait3A_45 : memref<1x128xi32, #tpu.memory_space<vmem>> -> memref<128xi32, #tpu.memory_space<vmem>>
        %dma_wait3A_47 = arith.constant 0 : i32
        %dma_wait3A_48 = tpu.memref_slice %arg9[%dma_wait3A_47] : memref<10112xf32, #tpu.memory_space<vmem_shared>> -> memref<10112xf32, #tpu.memory_space<vmem_shared>>
        tpu.wait_indirect_dma semaphore(%run_scoped3A : memref<!tpu.dma_semaphore, #tpu.memory_space<semaphore_mem>>) src(%arg7 : memref<128xf32, #tpu.memory_space<vmem>>) dst(%dma_wait3A_48 : memref<10112xf32, #tpu.memory_space<vmem_shared>>)
        tpu.yield
      }) : () -> ()
    }
    %barrier3A_36 = arith.constant 0 : index
    tpu.barrier barrier_id(%barrier3A_36)
    "tpu.region"() ({
      %run_scoped3A = tpu.sem_alloc : memref<!tpu.dma_semaphore, #tpu.memory_space<semaphore_mem>>
      %dma_start3A = tpu.memref_slice %arg9[%mul3A_0] : memref<10112xf32, #tpu.memory_space<vmem_shared>> -> memref<632xf32, #tpu.memory_space<vmem_shared>>
      %dma_start3A_40 = tpu.memref_slice %arg9[%mul3A_0] : memref<10112xf32, #tpu.memory_space<vmem_shared>> -> memref<632xf32, #tpu.memory_space<vmem_shared>>
      tpu.enqueue_dma source(%dma_start3A_40 : memref<632xf32, #tpu.memory_space<vmem_shared>>) target(%arg8 : memref<632xf32, #tpu.memory_space<vmem>>) target_semaphore(%run_scoped3A : memref<!tpu.dma_semaphore, #tpu.memory_space<semaphore_mem>>)
      %dma_wait3A = tpu.memref_slice %arg9[%mul3A_0] : memref<10112xf32, #tpu.memory_space<vmem_shared>> -> memref<632xf32, #tpu.memory_space<vmem_shared>>
      %dma_wait3A_41 = tpu.memref_slice %arg9[%mul3A_0] : memref<10112xf32, #tpu.memory_space<vmem_shared>> -> memref<632xf32, #tpu.memory_space<vmem_shared>>
      tpu.wait_dma2 semaphore(%run_scoped3A : memref<!tpu.dma_semaphore, #tpu.memory_space<semaphore_mem>>) src(%dma_wait3A_41 : memref<632xf32, #tpu.memory_space<vmem_shared>>) dst(%arg8 : memref<632xf32, #tpu.memory_space<vmem>>)
      tpu.yield
    }) : () -> ()
    %mul3A_37 = arith.constant 10112 : i32
    %mul3A_38 = arith.muli %arg0, %mul3A_37 : i32
    %add3A_39 = arith.addi %mul3A_38, %mul3A_0 : i32
    "tpu.region"() ({
      %run_scoped3A = tpu.sem_alloc : memref<!tpu.dma_semaphore, #tpu.memory_space<semaphore_mem>>
      %dma_start3A = tpu.memref_slice %arg5[%add3A_39] : memref<20224xf32, #tpu.memory_space<hbm>> -> memref<632xf32, #tpu.memory_space<hbm>>
      %dma_start3A_40 = tpu.memref_slice %arg5[%add3A_39] : memref<20224xf32, #tpu.memory_space<hbm>> -> memref<632xf32, #tpu.memory_space<hbm>>
      tpu.enqueue_dma source(%arg8 : memref<632xf32, #tpu.memory_space<vmem>>) target(%dma_start3A_40 : memref<632xf32, #tpu.memory_space<hbm>>) target_semaphore(%run_scoped3A : memref<!tpu.dma_semaphore, #tpu.memory_space<semaphore_mem>>)
      %dma_wait3A = tpu.memref_slice %arg5[%add3A_39] : memref<20224xf32, #tpu.memory_space<hbm>> -> memref<632xf32, #tpu.memory_space<hbm>>
      %dma_wait3A_41 = tpu.memref_slice %arg5[%add3A_39] : memref<20224xf32, #tpu.memory_space<hbm>> -> memref<632xf32, #tpu.memory_space<hbm>>
      tpu.wait_dma2 semaphore(%run_scoped3A : memref<!tpu.dma_semaphore, #tpu.memory_space<semaphore_mem>>) src(%arg8 : memref<632xf32, #tpu.memory_space<vmem>>) dst(%dma_wait3A_41 : memref<632xf32, #tpu.memory_space<hbm>>)
      tpu.yield
    }) : () -> ()
    return
  }
}

#map = affine_map<(d0, d1) -> (0, 0)>
#map1 = affine_map<(d0, d1) -> (0, 0, 0)>
module attributes {stable_mosaic.version = 14 : i64} {
  func.func @body(%arg0: i32, %arg1: i32, %arg2: memref<10000x128xf32, #tpu.memory_space<hbm>>, %arg3: memref<2x81x2048xi32, #tpu.memory_space<hbm>>, %arg4: memref<2x81x2048xi32, #tpu.memory_space<hbm>>, %arg5: memref<632x128xf32, #tpu.memory_space<hbm>>, %arg6: memref<2x10112x128xf32, #tpu.memory_space<hbm>>, %arg7: memref<81x128xi32, #tpu.memory_space<vmem>>, %arg8: memref<81x128xi32, #tpu.memory_space<vmem>>, %arg9: memref<128x128xf32, #tpu.memory_space<vmem>>, %arg10: memref<10112x128xf32, #tpu.memory_space<vmem_shared>>) attributes {dimension_semantics = [#tpu.dimension_semantics<core_parallel>, #tpu.dimension_semantics<subcore_parallel>], iteration_bounds = array<i64: 2, 16>, scalar_prefetch = 0 : i64, scratch_operands = 4 : i64, tpu.core_type = #tpu.core_type<sc_vector_subcore>, window_params = [{transform_indices = #map}, {transform_indices = #map1}, {transform_indices = #map1}, {transform_indices = #map}, {transform_indices = #map1}]} {
    %mul3A = arith.constant 632 : i32
    %mul3A_0 = arith.muli %arg1, %mul3A : i32
    %eq3A = arith.constant 0 : i32
    %eq3A_1 = arith.cmpi eq, %arg0, %eq3A : i32
    %jit3A = arith.constant 1296 : i32
    %jit3A_2 = arith.constant 1204 : i32
    %select_n3A = arith.select %eq3A_1, %jit3A, %jit3A_2 : i32
    %sub3A = arith.subi %select_n3A, %arg1 : i32
    %add3A = arith.constant 16 : i32
    %add3A_3 = arith.addi %sub3A, %add3A : i32
    %sub3A_4 = arith.constant 1 : i32
    %sub3A_5 = arith.subi %add3A_3, %sub3A_4 : i32
    %jit3A_6 = arith.constant 16 : i32
    %div3A = arith.divsi %sub3A_5, %jit3A_6 : i32
    %sign3A = arith.constant 0 : i32
    %sign3A_7 = arith.cmpi sgt, %sub3A_5, %sign3A : i32
    %sign3A_8 = arith.extui %sign3A_7 : i1 to i32
    %sign3A_9 = arith.constant 0 : i32
    %sign3A_10 = arith.cmpi slt, %sub3A_5, %sign3A_9 : i32
    %sign3A_11 = arith.extui %sign3A_10 : i1 to i32
    %sign3A_12 = arith.subi %sign3A_8, %sign3A_11 : i32
    %sign3A_13 = arith.constant 0 : i32
    %sign3A_14 = arith.cmpi sgt, %jit3A_6, %sign3A_13 : i32
    %sign3A_15 = arith.extui %sign3A_14 : i1 to i32
    %sign3A_16 = arith.constant 0 : i32
    %sign3A_17 = arith.cmpi slt, %jit3A_6, %sign3A_16 : i32
    %sign3A_18 = arith.extui %sign3A_17 : i1 to i32
    %sign3A_19 = arith.subi %sign3A_15, %sign3A_18 : i32
    %ne3A = arith.cmpi ne, %sign3A_12, %sign3A_19 : i32
    %rem3A = arith.remsi %sub3A_5, %jit3A_6 : i32
    %ne3A_20 = arith.constant 0 : i32
    %ne3A_21 = arith.cmpi ne, %rem3A, %ne3A_20 : i32
    %and3A = arith.andi %ne3A, %ne3A_21 : i1
    %sub3A_22 = arith.constant 1 : i32
    %sub3A_23 = arith.subi %div3A, %sub3A_22 : i32
    %select_n3A_24 = arith.select %and3A, %sub3A_23, %div3A : i32
    "tpu.region"() ({
      %run_scoped3A = tpu.sem_alloc : memref<!tpu.dma_semaphore, #tpu.memory_space<semaphore_mem>>
      %dma_start3A = arith.constant 0 : i32
      %dma_start3A_39 = tpu.memref_slice %arg10[%mul3A_0, %dma_start3A] : memref<10112x128xf32, #tpu.memory_space<vmem_shared>> -> memref<632x128xf32, #tpu.memory_space<vmem_shared>>
      tpu.enqueue_dma source(%arg5 : memref<632x128xf32, #tpu.memory_space<hbm>>) target(%dma_start3A_39 : memref<632x128xf32, #tpu.memory_space<vmem_shared>>) target_semaphore(%run_scoped3A : memref<!tpu.dma_semaphore, #tpu.memory_space<semaphore_mem>>)
      %dma_wait3A = arith.constant 0 : i32
      %dma_wait3A_40 = tpu.memref_slice %arg10[%mul3A_0, %dma_wait3A] : memref<10112x128xf32, #tpu.memory_space<vmem_shared>> -> memref<632x128xf32, #tpu.memory_space<vmem_shared>>
      tpu.wait_dma2 semaphore(%run_scoped3A : memref<!tpu.dma_semaphore, #tpu.memory_space<semaphore_mem>>) src(%arg5 : memref<632x128xf32, #tpu.memory_space<hbm>>) dst(%dma_wait3A_40 : memref<632x128xf32, #tpu.memory_space<vmem_shared>>)
      tpu.yield
    }) : () -> ()
    %barrier3A = arith.constant 0 : index
    tpu.barrier barrier_id(%barrier3A)
    %mul3A_25 = arith.constant 128 : i32
    %mul3A_26 = arith.muli %arg1, %mul3A_25 : i32
    "tpu.region"() ({
      %run_scoped3A = tpu.sem_alloc : memref<!tpu.dma_semaphore, #tpu.memory_space<semaphore_mem>>
      %dma_start3A = arith.constant 0 : i32
      %dma_start3A_39 = tpu.memref_slice %arg3[%arg0, %dma_start3A, %mul3A_26] : memref<2x81x2048xi32, #tpu.memory_space<hbm>> -> memref<1x81x128xi32, #tpu.memory_space<hbm>>
      %dma_start3A_40 = tpu.memref_squeeze %dma_start3A_39 : memref<1x81x128xi32, #tpu.memory_space<hbm>> -> memref<81x128xi32, #tpu.memory_space<hbm>>
      %dma_start3A_41 = arith.constant 0 : i32
      %dma_start3A_42 = tpu.memref_slice %arg3[%arg0, %dma_start3A_41, %mul3A_26] : memref<2x81x2048xi32, #tpu.memory_space<hbm>> -> memref<1x81x128xi32, #tpu.memory_space<hbm>>
      %dma_start3A_43 = tpu.memref_squeeze %dma_start3A_42 : memref<1x81x128xi32, #tpu.memory_space<hbm>> -> memref<81x128xi32, #tpu.memory_space<hbm>>
      tpu.enqueue_dma source(%dma_start3A_43 : memref<81x128xi32, #tpu.memory_space<hbm>>) target(%arg7 : memref<81x128xi32, #tpu.memory_space<vmem>>) target_semaphore(%run_scoped3A : memref<!tpu.dma_semaphore, #tpu.memory_space<semaphore_mem>>)
      %dma_wait3A = arith.constant 0 : i32
      %dma_wait3A_44 = tpu.memref_slice %arg3[%arg0, %dma_wait3A, %mul3A_26] : memref<2x81x2048xi32, #tpu.memory_space<hbm>> -> memref<1x81x128xi32, #tpu.memory_space<hbm>>
      %dma_wait3A_45 = tpu.memref_squeeze %dma_wait3A_44 : memref<1x81x128xi32, #tpu.memory_space<hbm>> -> memref<81x128xi32, #tpu.memory_space<hbm>>
      %dma_wait3A_46 = arith.constant 0 : i32
      %dma_wait3A_47 = tpu.memref_slice %arg3[%arg0, %dma_wait3A_46, %mul3A_26] : memref<2x81x2048xi32, #tpu.memory_space<hbm>> -> memref<1x81x128xi32, #tpu.memory_space<hbm>>
      %dma_wait3A_48 = tpu.memref_squeeze %dma_wait3A_47 : memref<1x81x128xi32, #tpu.memory_space<hbm>> -> memref<81x128xi32, #tpu.memory_space<hbm>>
      tpu.wait_dma2 semaphore(%run_scoped3A : memref<!tpu.dma_semaphore, #tpu.memory_space<semaphore_mem>>) src(%dma_wait3A_48 : memref<81x128xi32, #tpu.memory_space<hbm>>) dst(%arg7 : memref<81x128xi32, #tpu.memory_space<vmem>>)
      tpu.yield
    }) : () -> ()
    %mul3A_27 = arith.constant 128 : i32
    %mul3A_28 = arith.muli %arg1, %mul3A_27 : i32
    "tpu.region"() ({
      %run_scoped3A = tpu.sem_alloc : memref<!tpu.dma_semaphore, #tpu.memory_space<semaphore_mem>>
      %dma_start3A = arith.constant 0 : i32
      %dma_start3A_39 = tpu.memref_slice %arg4[%arg0, %dma_start3A, %mul3A_28] : memref<2x81x2048xi32, #tpu.memory_space<hbm>> -> memref<1x81x128xi32, #tpu.memory_space<hbm>>
      %dma_start3A_40 = tpu.memref_squeeze %dma_start3A_39 : memref<1x81x128xi32, #tpu.memory_space<hbm>> -> memref<81x128xi32, #tpu.memory_space<hbm>>
      %dma_start3A_41 = arith.constant 0 : i32
      %dma_start3A_42 = tpu.memref_slice %arg4[%arg0, %dma_start3A_41, %mul3A_28] : memref<2x81x2048xi32, #tpu.memory_space<hbm>> -> memref<1x81x128xi32, #tpu.memory_space<hbm>>
      %dma_start3A_43 = tpu.memref_squeeze %dma_start3A_42 : memref<1x81x128xi32, #tpu.memory_space<hbm>> -> memref<81x128xi32, #tpu.memory_space<hbm>>
      tpu.enqueue_dma source(%dma_start3A_43 : memref<81x128xi32, #tpu.memory_space<hbm>>) target(%arg8 : memref<81x128xi32, #tpu.memory_space<vmem>>) target_semaphore(%run_scoped3A : memref<!tpu.dma_semaphore, #tpu.memory_space<semaphore_mem>>)
      %dma_wait3A = arith.constant 0 : i32
      %dma_wait3A_44 = tpu.memref_slice %arg4[%arg0, %dma_wait3A, %mul3A_28] : memref<2x81x2048xi32, #tpu.memory_space<hbm>> -> memref<1x81x128xi32, #tpu.memory_space<hbm>>
      %dma_wait3A_45 = tpu.memref_squeeze %dma_wait3A_44 : memref<1x81x128xi32, #tpu.memory_space<hbm>> -> memref<81x128xi32, #tpu.memory_space<hbm>>
      %dma_wait3A_46 = arith.constant 0 : i32
      %dma_wait3A_47 = tpu.memref_slice %arg4[%arg0, %dma_wait3A_46, %mul3A_28] : memref<2x81x2048xi32, #tpu.memory_space<hbm>> -> memref<1x81x128xi32, #tpu.memory_space<hbm>>
      %dma_wait3A_48 = tpu.memref_squeeze %dma_wait3A_47 : memref<1x81x128xi32, #tpu.memory_space<hbm>> -> memref<81x128xi32, #tpu.memory_space<hbm>>
      tpu.wait_dma2 semaphore(%run_scoped3A : memref<!tpu.dma_semaphore, #tpu.memory_space<semaphore_mem>>) src(%dma_wait3A_48 : memref<81x128xi32, #tpu.memory_space<hbm>>) dst(%arg8 : memref<81x128xi32, #tpu.memory_space<vmem>>)
      tpu.yield
    }) : () -> ()
    %while3A = arith.constant 0 : i32
    %while3A_29 = arith.constant 0 : i32
    %while3A_30 = arith.subi %select_n3A_24, %while3A_29 : i32
    %while3A_31 = arith.addi %while3A_29, %while3A_30 : i32
    %while3A_32 = arith.constant 1 : i32
    %while3A_33 = arith.divsi %while3A_30, %while3A_32 : i32
    %while3A_34 = arith.muli %while3A_33, %while3A_32 : i32
    %while3A_35 = arith.addi %while3A_29, %while3A_34 : i32
    %while3A_36 = arith.constant 1 : i32
    scf.for %while3A_39 = %while3A_29 to %while3A_35 step %while3A_36  : i32 {
      "tpu.region"() ({
        %run_scoped3A = tpu.sem_alloc : memref<!tpu.dma_semaphore, #tpu.memory_space<semaphore_mem>>
        %dma_start3A = arith.constant 0 : i32
        %dma_start3A_40 = tpu.memref_slice %arg7[%while3A_39, %dma_start3A] : memref<81x128xi32, #tpu.memory_space<vmem>> -> memref<1x128xi32, #tpu.memory_space<vmem>>
        %dma_start3A_41 = tpu.memref_squeeze %dma_start3A_40 : memref<1x128xi32, #tpu.memory_space<vmem>> -> memref<128xi32, #tpu.memory_space<vmem>>
        %dma_start3A_42 = arith.constant 0 : i32
        %dma_start3A_43 = arith.constant 0 : i32
        %dma_start3A_44 = tpu.memref_slice %arg2[%dma_start3A_42, %dma_start3A_43] : memref<10000x128xf32, #tpu.memory_space<hbm>> -> memref<10000x128xf32, #tpu.memory_space<hbm>>
        tpu.enqueue_indirect_dma source(%dma_start3A_44 : memref<10000x128xf32, #tpu.memory_space<hbm>>) target(%arg9 : memref<128x128xf32, #tpu.memory_space<vmem>>) offsets(%dma_start3A_41 : memref<128xi32, #tpu.memory_space<vmem>>) semaphore(%run_scoped3A : memref<!tpu.dma_semaphore, #tpu.memory_space<semaphore_mem>>)
        %dma_wait3A = arith.constant 0 : i32
        %dma_wait3A_45 = tpu.memref_slice %arg7[%while3A_39, %dma_wait3A] : memref<81x128xi32, #tpu.memory_space<vmem>> -> memref<1x128xi32, #tpu.memory_space<vmem>>
        %dma_wait3A_46 = tpu.memref_squeeze %dma_wait3A_45 : memref<1x128xi32, #tpu.memory_space<vmem>> -> memref<128xi32, #tpu.memory_space<vmem>>
        %dma_wait3A_47 = arith.constant 0 : i32
        %dma_wait3A_48 = arith.constant 0 : i32
        %dma_wait3A_49 = tpu.memref_slice %arg2[%dma_wait3A_47, %dma_wait3A_48] : memref<10000x128xf32, #tpu.memory_space<hbm>> -> memref<10000x128xf32, #tpu.memory_space<hbm>>
        tpu.wait_indirect_dma semaphore(%run_scoped3A : memref<!tpu.dma_semaphore, #tpu.memory_space<semaphore_mem>>) src(%dma_wait3A_49 : memref<10000x128xf32, #tpu.memory_space<hbm>>) dst(%arg9 : memref<128x128xf32, #tpu.memory_space<vmem>>)
        tpu.yield
      }) : () -> ()
      "tpu.region"() ({
        %run_scoped3A = tpu.sem_alloc : memref<!tpu.dma_semaphore, #tpu.memory_space<semaphore_mem>>
        %dma_start3A = arith.constant 0 : i32
        %dma_start3A_40 = tpu.memref_slice %arg8[%while3A_39, %dma_start3A] : memref<81x128xi32, #tpu.memory_space<vmem>> -> memref<1x128xi32, #tpu.memory_space<vmem>>
        %dma_start3A_41 = tpu.memref_squeeze %dma_start3A_40 : memref<1x128xi32, #tpu.memory_space<vmem>> -> memref<128xi32, #tpu.memory_space<vmem>>
        %dma_start3A_42 = arith.constant 0 : i32
        %dma_start3A_43 = arith.constant 0 : i32
        %dma_start3A_44 = tpu.memref_slice %arg10[%dma_start3A_42, %dma_start3A_43] : memref<10112x128xf32, #tpu.memory_space<vmem_shared>> -> memref<10112x128xf32, #tpu.memory_space<vmem_shared>>
        tpu.enqueue_indirect_dma source(%arg9 : memref<128x128xf32, #tpu.memory_space<vmem>>) target(%dma_start3A_44 : memref<10112x128xf32, #tpu.memory_space<vmem_shared>>) offsets(%dma_start3A_41 : memref<128xi32, #tpu.memory_space<vmem>>) semaphore(%run_scoped3A : memref<!tpu.dma_semaphore, #tpu.memory_space<semaphore_mem>>) {add = true}
        %dma_wait3A = arith.constant 0 : i32
        %dma_wait3A_45 = tpu.memref_slice %arg8[%while3A_39, %dma_wait3A] : memref<81x128xi32, #tpu.memory_space<vmem>> -> memref<1x128xi32, #tpu.memory_space<vmem>>
        %dma_wait3A_46 = tpu.memref_squeeze %dma_wait3A_45 : memref<1x128xi32, #tpu.memory_space<vmem>> -> memref<128xi32, #tpu.memory_space<vmem>>
        %dma_wait3A_47 = arith.constant 0 : i32
        %dma_wait3A_48 = arith.constant 0 : i32
        %dma_wait3A_49 = tpu.memref_slice %arg10[%dma_wait3A_47, %dma_wait3A_48] : memref<10112x128xf32, #tpu.memory_space<vmem_shared>> -> memref<10112x128xf32, #tpu.memory_space<vmem_shared>>
        tpu.wait_indirect_dma semaphore(%run_scoped3A : memref<!tpu.dma_semaphore, #tpu.memory_space<semaphore_mem>>) src(%arg9 : memref<128x128xf32, #tpu.memory_space<vmem>>) dst(%dma_wait3A_49 : memref<10112x128xf32, #tpu.memory_space<vmem_shared>>)
        tpu.yield
      }) : () -> ()
    }
    %while3A_37 = arith.constant 1 : i32
    scf.for %while3A_39 = %while3A_35 to %while3A_31 step %while3A_37  : i32 {
      "tpu.region"() ({
        %run_scoped3A = tpu.sem_alloc : memref<!tpu.dma_semaphore, #tpu.memory_space<semaphore_mem>>
        %dma_start3A = arith.constant 0 : i32
        %dma_start3A_40 = tpu.memref_slice %arg7[%while3A_39, %dma_start3A] : memref<81x128xi32, #tpu.memory_space<vmem>> -> memref<1x128xi32, #tpu.memory_space<vmem>>
        %dma_start3A_41 = tpu.memref_squeeze %dma_start3A_40 : memref<1x128xi32, #tpu.memory_space<vmem>> -> memref<128xi32, #tpu.memory_space<vmem>>
        %dma_start3A_42 = arith.constant 0 : i32
        %dma_start3A_43 = arith.constant 0 : i32
        %dma_start3A_44 = tpu.memref_slice %arg2[%dma_start3A_42, %dma_start3A_43] : memref<10000x128xf32, #tpu.memory_space<hbm>> -> memref<10000x128xf32, #tpu.memory_space<hbm>>
        tpu.enqueue_indirect_dma source(%dma_start3A_44 : memref<10000x128xf32, #tpu.memory_space<hbm>>) target(%arg9 : memref<128x128xf32, #tpu.memory_space<vmem>>) offsets(%dma_start3A_41 : memref<128xi32, #tpu.memory_space<vmem>>) semaphore(%run_scoped3A : memref<!tpu.dma_semaphore, #tpu.memory_space<semaphore_mem>>)
        %dma_wait3A = arith.constant 0 : i32
        %dma_wait3A_45 = tpu.memref_slice %arg7[%while3A_39, %dma_wait3A] : memref<81x128xi32, #tpu.memory_space<vmem>> -> memref<1x128xi32, #tpu.memory_space<vmem>>
        %dma_wait3A_46 = tpu.memref_squeeze %dma_wait3A_45 : memref<1x128xi32, #tpu.memory_space<vmem>> -> memref<128xi32, #tpu.memory_space<vmem>>
        %dma_wait3A_47 = arith.constant 0 : i32
        %dma_wait3A_48 = arith.constant 0 : i32
        %dma_wait3A_49 = tpu.memref_slice %arg2[%dma_wait3A_47, %dma_wait3A_48] : memref<10000x128xf32, #tpu.memory_space<hbm>> -> memref<10000x128xf32, #tpu.memory_space<hbm>>
        tpu.wait_indirect_dma semaphore(%run_scoped3A : memref<!tpu.dma_semaphore, #tpu.memory_space<semaphore_mem>>) src(%dma_wait3A_49 : memref<10000x128xf32, #tpu.memory_space<hbm>>) dst(%arg9 : memref<128x128xf32, #tpu.memory_space<vmem>>)
        tpu.yield
      }) : () -> ()
      "tpu.region"() ({
        %run_scoped3A = tpu.sem_alloc : memref<!tpu.dma_semaphore, #tpu.memory_space<semaphore_mem>>
        %dma_start3A = arith.constant 0 : i32
        %dma_start3A_40 = tpu.memref_slice %arg8[%while3A_39, %dma_start3A] : memref<81x128xi32, #tpu.memory_space<vmem>> -> memref<1x128xi32, #tpu.memory_space<vmem>>
        %dma_start3A_41 = tpu.memref_squeeze %dma_start3A_40 : memref<1x128xi32, #tpu.memory_space<vmem>> -> memref<128xi32, #tpu.memory_space<vmem>>
        %dma_start3A_42 = arith.constant 0 : i32
        %dma_start3A_43 = arith.constant 0 : i32
        %dma_start3A_44 = tpu.memref_slice %arg10[%dma_start3A_42, %dma_start3A_43] : memref<10112x128xf32, #tpu.memory_space<vmem_shared>> -> memref<10112x128xf32, #tpu.memory_space<vmem_shared>>
        tpu.enqueue_indirect_dma source(%arg9 : memref<128x128xf32, #tpu.memory_space<vmem>>) target(%dma_start3A_44 : memref<10112x128xf32, #tpu.memory_space<vmem_shared>>) offsets(%dma_start3A_41 : memref<128xi32, #tpu.memory_space<vmem>>) semaphore(%run_scoped3A : memref<!tpu.dma_semaphore, #tpu.memory_space<semaphore_mem>>) {add = true}
        %dma_wait3A = arith.constant 0 : i32
        %dma_wait3A_45 = tpu.memref_slice %arg8[%while3A_39, %dma_wait3A] : memref<81x128xi32, #tpu.memory_space<vmem>> -> memref<1x128xi32, #tpu.memory_space<vmem>>
        %dma_wait3A_46 = tpu.memref_squeeze %dma_wait3A_45 : memref<1x128xi32, #tpu.memory_space<vmem>> -> memref<128xi32, #tpu.memory_space<vmem>>
        %dma_wait3A_47 = arith.constant 0 : i32
        %dma_wait3A_48 = arith.constant 0 : i32
        %dma_wait3A_49 = tpu.memref_slice %arg10[%dma_wait3A_47, %dma_wait3A_48] : memref<10112x128xf32, #tpu.memory_space<vmem_shared>> -> memref<10112x128xf32, #tpu.memory_space<vmem_shared>>
        tpu.wait_indirect_dma semaphore(%run_scoped3A : memref<!tpu.dma_semaphore, #tpu.memory_space<semaphore_mem>>) src(%arg9 : memref<128x128xf32, #tpu.memory_space<vmem>>) dst(%dma_wait3A_49 : memref<10112x128xf32, #tpu.memory_space<vmem_shared>>)
        tpu.yield
      }) : () -> ()
    }
    %barrier3A_38 = arith.constant 0 : index
    tpu.barrier barrier_id(%barrier3A_38)
    "tpu.region"() ({
      %run_scoped3A = tpu.sem_alloc : memref<!tpu.dma_semaphore, #tpu.memory_space<semaphore_mem>>
      %dma_start3A = arith.constant 0 : i32
      %dma_start3A_39 = tpu.memref_slice %arg6[%arg0, %mul3A_0, %dma_start3A] : memref<2x10112x128xf32, #tpu.memory_space<hbm>> -> memref<1x632x128xf32, #tpu.memory_space<hbm>>
      %dma_start3A_40 = tpu.memref_squeeze %dma_start3A_39 : memref<1x632x128xf32, #tpu.memory_space<hbm>> -> memref<632x128xf32, #tpu.memory_space<hbm>>
      %dma_start3A_41 = arith.constant 0 : i32
      %dma_start3A_42 = tpu.memref_slice %arg10[%mul3A_0, %dma_start3A_41] : memref<10112x128xf32, #tpu.memory_space<vmem_shared>> -> memref<632x128xf32, #tpu.memory_space<vmem_shared>>
      tpu.enqueue_dma source(%dma_start3A_42 : memref<632x128xf32, #tpu.memory_space<vmem_shared>>) target(%dma_start3A_40 : memref<632x128xf32, #tpu.memory_space<hbm>>) target_semaphore(%run_scoped3A : memref<!tpu.dma_semaphore, #tpu.memory_space<semaphore_mem>>)
      %dma_wait3A = arith.constant 0 : i32
      %dma_wait3A_43 = tpu.memref_slice %arg6[%arg0, %mul3A_0, %dma_wait3A] : memref<2x10112x128xf32, #tpu.memory_space<hbm>> -> memref<1x632x128xf32, #tpu.memory_space<hbm>>
      %dma_wait3A_44 = tpu.memref_squeeze %dma_wait3A_43 : memref<1x632x128xf32, #tpu.memory_space<hbm>> -> memref<632x128xf32, #tpu.memory_space<hbm>>
      %dma_wait3A_45 = arith.constant 0 : i32
      %dma_wait3A_46 = tpu.memref_slice %arg10[%mul3A_0, %dma_wait3A_45] : memref<10112x128xf32, #tpu.memory_space<vmem_shared>> -> memref<632x128xf32, #tpu.memory_space<vmem_shared>>
      tpu.wait_dma2 semaphore(%run_scoped3A : memref<!tpu.dma_semaphore, #tpu.memory_space<semaphore_mem>>) src(%dma_wait3A_46 : memref<632x128xf32, #tpu.memory_space<vmem_shared>>) dst(%dma_wait3A_44 : memref<632x128xf32, #tpu.memory_space<hbm>>)
      tpu.yield
    }) : () -> ()
    return
  }
}

module attributes {stable_mosaic.version = 14 : i64} {
  func.func @_tc_layer1(%arg0: i32, %arg1: memref<2x2000x128xf32, #tpu.memory_space<vmem>>, %arg2: memref<2x2000x1xf32, #tpu.memory_space<vmem>>, %arg3: memref<2000x128xf32, #tpu.memory_space<vmem>>, %arg4: memref<128x128xf32, #tpu.memory_space<vmem>>, %arg5: memref<128x128xf32, #tpu.memory_space<vmem>>, %arg6: memref<1x128xf32, #tpu.memory_space<vmem>>, %arg7: memref<2000x128xf32, #tpu.memory_space<vmem>>) attributes {dimension_semantics = [#tpu.dimension_semantics<arbitrary>], iteration_bounds = array<i64: 5>, scalar_prefetch = 0 : i64, scratch_operands = 0 : i64, tpu.core_type = #tpu.core_type<tc>, window_params = [{transform_indices = @transform_0, window_bounds = array<i64: 2, 2000, 128>}, {transform_indices = @transform_1, window_bounds = array<i64: 2, 2000, 1>}, {transform_indices = @transform_2, window_bounds = array<i64: 2000, 128>}, {pipeline_mode = #tpu.pipeline_mode<synchronous>, transform_indices = @transform_3, window_bounds = array<i64: 128, 128>}, {pipeline_mode = #tpu.pipeline_mode<synchronous>, transform_indices = @transform_4, window_bounds = array<i64: 128, 128>}, {pipeline_mode = #tpu.pipeline_mode<synchronous>, transform_indices = @transform_5, window_bounds = array<i64: 1, 128>}, {transform_indices = @transform_6, window_bounds = array<i64: 2000, 128>}]} {
    %get3A = arith.constant 0 : index
    %get3A_0 = arith.constant 0 : index
    %get3A_1 = arith.constant 0 : index
    %get3A_2 = vector.load %arg1[%get3A, %get3A_0, %get3A_1] : memref<2x2000x128xf32, #tpu.memory_space<vmem>>, vector<1x2000x128xf32>
    %get3A_3 = vector.shape_cast %get3A_2 : vector<1x2000x128xf32> to vector<2000x128xf32>
    %get3A_4 = arith.constant 1 : index
    %get3A_5 = arith.constant 0 : index
    %get3A_6 = arith.constant 0 : index
    %get3A_7 = vector.load %arg1[%get3A_4, %get3A_5, %get3A_6] : memref<2x2000x128xf32, #tpu.memory_space<vmem>>, vector<1x2000x128xf32>
    %get3A_8 = vector.shape_cast %get3A_7 : vector<1x2000x128xf32> to vector<2000x128xf32>
    %add3A = arith.addf %get3A_3, %get3A_8 : vector<2000x128xf32>
    %get3A_9 = arith.constant 0 : index
    %get3A_10 = arith.constant 0 : index
    %get3A_11 = arith.constant 0 : index
    %get3A_12 = vector.load %arg2[%get3A_9, %get3A_10, %get3A_11] : memref<2x2000x1xf32, #tpu.memory_space<vmem>>, vector<1x2000x1xf32>
    %get3A_13 = vector.shape_cast %get3A_12 : vector<1x2000x1xf32> to vector<2000x1xf32>
    %get3A_14 = arith.constant 1 : index
    %get3A_15 = arith.constant 0 : index
    %get3A_16 = arith.constant 0 : index
    %get3A_17 = vector.load %arg2[%get3A_14, %get3A_15, %get3A_16] : memref<2x2000x1xf32, #tpu.memory_space<vmem>>, vector<1x2000x1xf32>
    %get3A_18 = vector.shape_cast %get3A_17 : vector<1x2000x1xf32> to vector<2000x1xf32>
    %add3A_19 = arith.addf %get3A_13, %get3A_18 : vector<2000x1xf32>
    %max3A = arith.constant 1.000000e+00 : f32
    %max3A_20 = vector.broadcast %max3A : f32 to vector<2000x1xf32>
    %max3A_21 = arith.maximumf %add3A_19, %max3A_20 : vector<2000x1xf32>
    %div3A = arith.constant 1.000000e+00 : f32
    %div3A_22 = vector.broadcast %div3A : f32 to vector<2000x1xf32>
    %div3A_23 = arith.divf %div3A_22, %max3A_21 : vector<2000x1xf32>
    %get3A_24 = arith.constant 0 : index
    %get3A_25 = arith.constant 0 : index
    %get3A_26 = vector.load %arg4[%get3A_24, %get3A_25] : memref<128x128xf32, #tpu.memory_space<vmem>>, vector<128x128xf32>
    %dot_general3A = arith.constant dense<0.000000e+00> : vector<2000x128xf32>
    %dot_general3A_27 = tpu.matmul %add3A, %get3A_26, %dot_general3A {dimension_numbers = #tpu.dot_dimension_numbers<[1], [0], [0], [1], [0, 0, 1, 1], [], []>, transpose_lhs_hint = false} : vector<2000x128xf32>, vector<128x128xf32>, vector<2000x128xf32> -> vector<2000x128xf32>
    %mul3A = vector.broadcast %div3A_23 : vector<2000x1xf32> to vector<2000x128xf32>
    %mul3A_28 = arith.mulf %dot_general3A_27, %mul3A : vector<2000x128xf32>
    %get3A_29 = arith.constant 0 : index
    %get3A_30 = arith.constant 0 : index
    %get3A_31 = vector.load %arg3[%get3A_29, %get3A_30] : memref<2000x128xf32, #tpu.memory_space<vmem>>, vector<2000x128xf32>
    %get3A_32 = arith.constant 0 : index
    %get3A_33 = arith.constant 0 : index
    %get3A_34 = vector.load %arg5[%get3A_32, %get3A_33] : memref<128x128xf32, #tpu.memory_space<vmem>>, vector<128x128xf32>
    %dot_general3A_35 = arith.constant dense<0.000000e+00> : vector<2000x128xf32>
    %dot_general3A_36 = tpu.matmul %get3A_31, %get3A_34, %dot_general3A_35 {dimension_numbers = #tpu.dot_dimension_numbers<[1], [0], [0], [1], [0, 0, 1, 1], [], []>, transpose_lhs_hint = false} : vector<2000x128xf32>, vector<128x128xf32>, vector<2000x128xf32> -> vector<2000x128xf32>
    %add3A_37 = arith.addf %mul3A_28, %dot_general3A_36 : vector<2000x128xf32>
    %get3A_38 = arith.constant 0 : index
    %get3A_39 = arith.constant 0 : index
    %get3A_40 = vector.load %arg6[%get3A_38, %get3A_39] : memref<1x128xf32, #tpu.memory_space<vmem>>, vector<1x128xf32>
    %add3A_41 = vector.broadcast %get3A_40 : vector<1x128xf32> to vector<2000x128xf32>
    %add3A_42 = arith.addf %add3A_37, %add3A_41 : vector<2000x128xf32>
    %max3A_43 = arith.constant 0.000000e+00 : f32
    %max3A_44 = vector.broadcast %max3A_43 : f32 to vector<2000x128xf32>
    %max3A_45 = arith.maximumf %add3A_42, %max3A_44 : vector<2000x128xf32>
    %swap3A = arith.constant 0 : index
    %swap3A_46 = arith.constant 0 : index
    %swap3A_47 = vector.load %arg7[%swap3A, %swap3A_46] : memref<2000x128xf32, #tpu.memory_space<vmem>>, vector<2000x128xf32>
    tpu.vector_store %arg7[%swap3A, %swap3A_46], %max3A_45 {strides = array<i32>} : memref<2000x128xf32, #tpu.memory_space<vmem>>, vector<2000x128xf32>,
    return
  }
  func.func @transform_0(%arg0: i32) -> (i32, i32, i32) {
    %c0_i32 = arith.constant 0 : i32
    %c0_i32_0 = arith.constant 0 : i32
    %c0_i32_1 = arith.constant 0 : i32
    return %c0_i32, %arg0, %c0_i32_0 : i32, i32, i32
  }
  func.func @transform_1(%arg0: i32) -> (i32, i32, i32) {
    %c0_i32 = arith.constant 0 : i32
    %c0_i32_0 = arith.constant 0 : i32
    %c0_i32_1 = arith.constant 0 : i32
    return %c0_i32, %arg0, %c0_i32_0 : i32, i32, i32
  }
  func.func @transform_2(%arg0: i32) -> (i32, i32) {
    %c0_i32 = arith.constant 0 : i32
    %c0_i32_0 = arith.constant 0 : i32
    return %arg0, %c0_i32 : i32, i32
  }
  func.func @transform_3(%arg0: i32) -> (i32, i32) {
    %c0_i32 = arith.constant 0 : i32
    %c0_i32_0 = arith.constant 0 : i32
    %c0_i32_1 = arith.constant 0 : i32
    return %c0_i32, %c0_i32_0 : i32, i32
  }
  func.func @transform_4(%arg0: i32) -> (i32, i32) {
    %c0_i32 = arith.constant 0 : i32
    %c0_i32_0 = arith.constant 0 : i32
    %c0_i32_1 = arith.constant 0 : i32
    return %c0_i32, %c0_i32_0 : i32, i32
  }
  func.func @transform_5(%arg0: i32) -> (i32, i32) {
    %c0_i32 = arith.constant 0 : i32
    %c0_i32_0 = arith.constant 0 : i32
    %c0_i32_1 = arith.constant 0 : i32
    return %c0_i32, %c0_i32_0 : i32, i32
  }
  func.func @transform_6(%arg0: i32) -> (i32, i32) {
    %c0_i32 = arith.constant 0 : i32
    %c0_i32_0 = arith.constant 0 : i32
    return %arg0, %c0_i32 : i32, i32
  }
}

module attributes {stable_mosaic.version = 14 : i64} {
  func.func @_tc_layer2(%arg0: i32, %arg1: memref<2x2000x128xf32, #tpu.memory_space<vmem>>, %arg2: memref<2x2000x1xf32, #tpu.memory_space<vmem>>, %arg3: memref<2000x128xf32, #tpu.memory_space<vmem>>, %arg4: memref<128x128xf32, #tpu.memory_space<vmem>>, %arg5: memref<128x128xf32, #tpu.memory_space<vmem>>, %arg6: memref<1x128xf32, #tpu.memory_space<vmem>>, %arg7: memref<128x64xf32, #tpu.memory_space<vmem>>, %arg8: memref<1x64xf32, #tpu.memory_space<vmem>>, %arg9: memref<2000x64xf32, #tpu.memory_space<vmem>>) attributes {dimension_semantics = [#tpu.dimension_semantics<arbitrary>], iteration_bounds = array<i64: 5>, scalar_prefetch = 0 : i64, scratch_operands = 0 : i64, tpu.core_type = #tpu.core_type<tc>, window_params = [{transform_indices = @transform_0, window_bounds = array<i64: 2, 2000, 128>}, {transform_indices = @transform_1, window_bounds = array<i64: 2, 2000, 1>}, {transform_indices = @transform_2, window_bounds = array<i64: 2000, 128>}, {pipeline_mode = #tpu.pipeline_mode<synchronous>, transform_indices = @transform_3, window_bounds = array<i64: 128, 128>}, {pipeline_mode = #tpu.pipeline_mode<synchronous>, transform_indices = @transform_4, window_bounds = array<i64: 128, 128>}, {pipeline_mode = #tpu.pipeline_mode<synchronous>, transform_indices = @transform_5, window_bounds = array<i64: 1, 128>}, {pipeline_mode = #tpu.pipeline_mode<synchronous>, transform_indices = @transform_6, window_bounds = array<i64: 128, 64>}, {pipeline_mode = #tpu.pipeline_mode<synchronous>, transform_indices = @transform_7, window_bounds = array<i64: 1, 64>}, {transform_indices = @transform_8, window_bounds = array<i64: 2000, 64>}]} {
    %get3A = arith.constant 0 : index
    %get3A_0 = arith.constant 0 : index
    %get3A_1 = arith.constant 0 : index
    %get3A_2 = vector.load %arg1[%get3A, %get3A_0, %get3A_1] : memref<2x2000x128xf32, #tpu.memory_space<vmem>>, vector<1x2000x128xf32>
    %get3A_3 = vector.shape_cast %get3A_2 : vector<1x2000x128xf32> to vector<2000x128xf32>
    %get3A_4 = arith.constant 1 : index
    %get3A_5 = arith.constant 0 : index
    %get3A_6 = arith.constant 0 : index
    %get3A_7 = vector.load %arg1[%get3A_4, %get3A_5, %get3A_6] : memref<2x2000x128xf32, #tpu.memory_space<vmem>>, vector<1x2000x128xf32>
    %get3A_8 = vector.shape_cast %get3A_7 : vector<1x2000x128xf32> to vector<2000x128xf32>
    %add3A = arith.addf %get3A_3, %get3A_8 : vector<2000x128xf32>
    %get3A_9 = arith.constant 0 : index
    %get3A_10 = arith.constant 0 : index
    %get3A_11 = arith.constant 0 : index
    %get3A_12 = vector.load %arg2[%get3A_9, %get3A_10, %get3A_11] : memref<2x2000x1xf32, #tpu.memory_space<vmem>>, vector<1x2000x1xf32>
    %get3A_13 = vector.shape_cast %get3A_12 : vector<1x2000x1xf32> to vector<2000x1xf32>
    %get3A_14 = arith.constant 1 : index
    %get3A_15 = arith.constant 0 : index
    %get3A_16 = arith.constant 0 : index
    %get3A_17 = vector.load %arg2[%get3A_14, %get3A_15, %get3A_16] : memref<2x2000x1xf32, #tpu.memory_space<vmem>>, vector<1x2000x1xf32>
    %get3A_18 = vector.shape_cast %get3A_17 : vector<1x2000x1xf32> to vector<2000x1xf32>
    %add3A_19 = arith.addf %get3A_13, %get3A_18 : vector<2000x1xf32>
    %max3A = arith.constant 1.000000e+00 : f32
    %max3A_20 = vector.broadcast %max3A : f32 to vector<2000x1xf32>
    %max3A_21 = arith.maximumf %add3A_19, %max3A_20 : vector<2000x1xf32>
    %div3A = arith.constant 1.000000e+00 : f32
    %div3A_22 = vector.broadcast %div3A : f32 to vector<2000x1xf32>
    %div3A_23 = arith.divf %div3A_22, %max3A_21 : vector<2000x1xf32>
    %get3A_24 = arith.constant 0 : index
    %get3A_25 = arith.constant 0 : index
    %get3A_26 = vector.load %arg4[%get3A_24, %get3A_25] : memref<128x128xf32, #tpu.memory_space<vmem>>, vector<128x128xf32>
    %dot_general3A = arith.constant dense<0.000000e+00> : vector<2000x128xf32>
    %dot_general3A_27 = tpu.matmul %add3A, %get3A_26, %dot_general3A {dimension_numbers = #tpu.dot_dimension_numbers<[1], [0], [0], [1], [0, 0, 1, 1], [], []>, transpose_lhs_hint = false} : vector<2000x128xf32>, vector<128x128xf32>, vector<2000x128xf32> -> vector<2000x128xf32>
    %mul3A = vector.broadcast %div3A_23 : vector<2000x1xf32> to vector<2000x128xf32>
    %mul3A_28 = arith.mulf %dot_general3A_27, %mul3A : vector<2000x128xf32>
    %get3A_29 = arith.constant 0 : index
    %get3A_30 = arith.constant 0 : index
    %get3A_31 = vector.load %arg3[%get3A_29, %get3A_30] : memref<2000x128xf32, #tpu.memory_space<vmem>>, vector<2000x128xf32>
    %get3A_32 = arith.constant 0 : index
    %get3A_33 = arith.constant 0 : index
    %get3A_34 = vector.load %arg5[%get3A_32, %get3A_33] : memref<128x128xf32, #tpu.memory_space<vmem>>, vector<128x128xf32>
    %dot_general3A_35 = arith.constant dense<0.000000e+00> : vector<2000x128xf32>
    %dot_general3A_36 = tpu.matmul %get3A_31, %get3A_34, %dot_general3A_35 {dimension_numbers = #tpu.dot_dimension_numbers<[1], [0], [0], [1], [0, 0, 1, 1], [], []>, transpose_lhs_hint = false} : vector<2000x128xf32>, vector<128x128xf32>, vector<2000x128xf32> -> vector<2000x128xf32>
    %add3A_37 = arith.addf %mul3A_28, %dot_general3A_36 : vector<2000x128xf32>
    %get3A_38 = arith.constant 0 : index
    %get3A_39 = arith.constant 0 : index
    %get3A_40 = vector.load %arg6[%get3A_38, %get3A_39] : memref<1x128xf32, #tpu.memory_space<vmem>>, vector<1x128xf32>
    %add3A_41 = vector.broadcast %get3A_40 : vector<1x128xf32> to vector<2000x128xf32>
    %add3A_42 = arith.addf %add3A_37, %add3A_41 : vector<2000x128xf32>
    %max3A_43 = arith.constant 0.000000e+00 : f32
    %max3A_44 = vector.broadcast %max3A_43 : f32 to vector<2000x128xf32>
    %max3A_45 = arith.maximumf %add3A_42, %max3A_44 : vector<2000x128xf32>
    %get3A_46 = arith.constant 0 : index
    %get3A_47 = arith.constant 0 : index
    %get3A_48 = vector.load %arg7[%get3A_46, %get3A_47] : memref<128x64xf32, #tpu.memory_space<vmem>>, vector<128x64xf32>
    %dot_general3A_49 = arith.constant dense<0.000000e+00> : vector<2000x64xf32>
    %dot_general3A_50 = tpu.matmul %max3A_45, %get3A_48, %dot_general3A_49 {dimension_numbers = #tpu.dot_dimension_numbers<[1], [0], [0], [1], [0, 0, 1, 1], [], []>, transpose_lhs_hint = false} : vector<2000x128xf32>, vector<128x64xf32>, vector<2000x64xf32> -> vector<2000x64xf32>
    %get3A_51 = arith.constant 0 : index
    %get3A_52 = arith.constant 0 : index
    %get3A_53 = vector.load %arg8[%get3A_51, %get3A_52] : memref<1x64xf32, #tpu.memory_space<vmem>>, vector<1x64xf32>
    %add3A_54 = vector.broadcast %get3A_53 : vector<1x64xf32> to vector<2000x64xf32>
    %add3A_55 = arith.addf %dot_general3A_50, %add3A_54 : vector<2000x64xf32>
    %swap3A = arith.constant 0 : index
    %swap3A_56 = arith.constant 0 : index
    %swap3A_57 = vector.load %arg9[%swap3A, %swap3A_56] : memref<2000x64xf32, #tpu.memory_space<vmem>>, vector<2000x64xf32>
    tpu.vector_store %arg9[%swap3A, %swap3A_56], %add3A_55 {strides = array<i32>} : memref<2000x64xf32, #tpu.memory_space<vmem>>, vector<2000x64xf32>,
    return
  }
  func.func @transform_0(%arg0: i32) -> (i32, i32, i32) {
    %c0_i32 = arith.constant 0 : i32
    %c0_i32_0 = arith.constant 0 : i32
    %c0_i32_1 = arith.constant 0 : i32
    return %c0_i32, %arg0, %c0_i32_0 : i32, i32, i32
  }
  func.func @transform_1(%arg0: i32) -> (i32, i32, i32) {
    %c0_i32 = arith.constant 0 : i32
    %c0_i32_0 = arith.constant 0 : i32
    %c0_i32_1 = arith.constant 0 : i32
    return %c0_i32, %arg0, %c0_i32_0 : i32, i32, i32
  }
  func.func @transform_2(%arg0: i32) -> (i32, i32) {
    %c0_i32 = arith.constant 0 : i32
    %c0_i32_0 = arith.constant 0 : i32
    return %arg0, %c0_i32 : i32, i32
  }
  func.func @transform_3(%arg0: i32) -> (i32, i32) {
    %c0_i32 = arith.constant 0 : i32
    %c0_i32_0 = arith.constant 0 : i32
    %c0_i32_1 = arith.constant 0 : i32
    return %c0_i32, %c0_i32_0 : i32, i32
  }
  func.func @transform_4(%arg0: i32) -> (i32, i32) {
    %c0_i32 = arith.constant 0 : i32
    %c0_i32_0 = arith.constant 0 : i32
    %c0_i32_1 = arith.constant 0 : i32
    return %c0_i32, %c0_i32_0 : i32, i32
  }
  func.func @transform_5(%arg0: i32) -> (i32, i32) {
    %c0_i32 = arith.constant 0 : i32
    %c0_i32_0 = arith.constant 0 : i32
    %c0_i32_1 = arith.constant 0 : i32
    return %c0_i32, %c0_i32_0 : i32, i32
  }
  func.func @transform_6(%arg0: i32) -> (i32, i32) {
    %c0_i32 = arith.constant 0 : i32
    %c0_i32_0 = arith.constant 0 : i32
    %c0_i32_1 = arith.constant 0 : i32
    return %c0_i32, %c0_i32_0 : i32, i32
  }
  func.func @transform_7(%arg0: i32) -> (i32, i32) {
    %c0_i32 = arith.constant 0 : i32
    %c0_i32_0 = arith.constant 0 : i32
    %c0_i32_1 = arith.constant 0 : i32
    return %c0_i32, %c0_i32_0 : i32, i32
  }
  func.func @transform_8(%arg0: i32) -> (i32, i32) {
    %c0_i32 = arith.constant 0 : i32
    %c0_i32_0 = arith.constant 0 : i32
    return %arg0, %c0_i32 : i32, i32
  }
}

</mosaic_0001>

<sc_bundles>
// kernel: kernel.10.cloned.1.call-start
scs
__scs_entry_jumppad:
0x0: {  	(pc) =	sbr.rel $0x88, $3  }
0x1: {  	(tag) =	ssettag $0x0;
	lr =	simm.s32 $0x1  }
0x2: {  	[smem:$0x3F97] =	sst lr;
	_ =	strace $0xD0000000  }
0x3: {  	_ = 	snop  }
0x4: {  	_ = 	snop  }
0x5: {  	_ = 	snop  }
0x6: {  	_ = 	snop  }
0x7: {  	_ = 	snop  }
__scs_overlays_trampoline_lowered:
0x8: {  	[smem:$0x3FA6] =	sst s0  }
0x9: {  	[smem:$0x3FA7] =	sst s1  }
0xa: {  	[smem:$0x3FA8] =	sst s2  }
0xb: {  	[smem:$0x3FA9] =	sst s3  }
0xc: {  	[smem:$0x3FAA] =	sst s4  }
0xd: {  	[smem:$0x3FAB] =	sst s5  }
0xe: {  	[smem:$0x3FAC] =	sst s6  }
0xf: {  	[smem:$0x3FAD] =	sst s7  }
0x10: {  	[smem:$0x3FAE] =	sst s8  }
0x11: {  	[smem:$0x3FAF] =	sst s9;
	s0 =	simm.s32 @!p0 $0x0  }
0x12: {  	s1 =	sld [smem:$0x3F95];
	s0 =	simm.s32 @p0 $0x1  }
0x13: {  	[smem:$0x3FB0] =	sst s0;
	s0 =	simm.s32 @!p1 $0x0  }
0x14: {  	s2 =	sld [smem:$0x3F94];
	s0 =	simm.s32 @p1 $0x1  }
0x15: {  	[smem:$0x3FB1] =	sst s0;
	s0 =	simm.s32 @!p2 $0x0  }
0x16: {  	s3 =	sld [smem:$0x3FDB];
	s0 =	simm.s32 @p2 $0x1  }
0x17: {  	s4 =	simm.s32 $0x1BF5;
	[smem:$0x3FB3] =	sst s0  }
0x18: {  	s0 =	sld [smem:$0x3F96];
	_ =	swait.ge [sflag:s4], $0x0  }
0x19: {  	s7 =	sld [smem:$0x3F97]  }
0x1a: {  	s8 =	sadd.s32 $0xFFFFE003, lr  }
0x1b: {  	s9 =	sadd.s32 $0xFFFFFEF7, lr;
	s5 =	simm.s32 $0xFFFFFFFF;
	p2 =	slt.u32 s8, $0xFFFFF086  }
0x1c: {  	p1 =	slt.u32 s9, $0xF7A;
	s5 =	simm.s32 @!p2 $0x0  }
0x1d: {  	s5 =	simm.s32 @p1 $0x1;
	p0 =	seq.s32 s7, s2  }
0x1e: {  	s7 =	smul.u32 @!p0 $0xF7A, s2;
	p2 =	seq.s32 @!p0 s5, $0x0  }
0x1f: {  	s9 =	smul.u32 $0xF7A, s1;
	s8 =	simm.s32 @!p0 $0x1BF5;
	p2 =	por !p2, p0  }
0x20: {  	[sflag:s8] =	ssyncset.s32 @!p0 $0xFFFFF086;
	s6 =	sadd.s32 @!p0 s3, s7;
	s7 =	simm.s32 @!p0 $0x108  }
0x21: {  	s3 =	sadd.s32 s3, s9;
	s6 =	sadd.s32 @!p0 $0x88, s6;
	s7 =	simm.s32 @p2 $0x1082  }
0x22: {  	[simem:s7], [sflag:s8] =	dma.local @!p0 [hbm:s6], $0xF7A  }
0x23: {  	s9 =	sor.u32 $0xD0000000, s2;
	s6 =	simm.s32 $0x108;
	_ =	swait.ge @!p0 [sflag:s8], $0x0  }
0x24: {  	s3 =	sadd.s32 $0x88, s3;
	s6 =	simm.s32 @!p1 $0x1082;
	[sflag:s4] =	ssyncset.s32 $0xFFFFF086  }
0x25: {  	[simem:s6], [sflag:s4] =	dma.local [hbm:s3], $0xF7A  }
0x26: {  	[smem:$0x3F97] =	sst s1;
	(tag) =	ssettag s2;
	_ =	strace s9  }
0x27: {  	s1 =	sld [smem:$0x3FA7]  }
0x28: {  	s2 =	sld [smem:$0x3FA8]  }
0x29: {  	s4 =	sld [smem:$0x3FAA]  }
0x2a: {  	p0 =	seq.s32 s5, $0x0;
	s5 =	sld [smem:$0x3FAB]  }
0x2b: {  	s6 =	sld [smem:$0x3FAC]  }
0x2c: {  	s7 =	sld [smem:$0x3FAD]  }
0x2d: {  	s3 =	simm.s32 $0x108;
	s8 =	sld [smem:$0x3FAE]  }
0x2e: {  	s3 =	simm.s32 @!p0 $0x1082;
	s9 =	sld [smem:$0x3FAF]  }
0x2f: {  	lr =	sadd.s32 s0, s3;
	s0 =	sld [smem:$0x3FA6]  }
0x30: {  	s3 =	sld [smem:$0x3FA9]  }
0x31: {  	[smem:$0x3FB2] =	sst s10  }
0x32: {  	s10 =	sld [smem:$0x3FB0];
	_ =	sdelay $0x3  }
0x33: {  	p0 =	seq.s32 s10, $0x1;
	s10 =	sld [smem:$0x3FB2];
	_ =	sdelay $0x3  }
0x34: {  	[smem:$0x3FB2] =	sst s10  }
0x35: {  	s10 =	sld [smem:$0x3FB1];
	_ =	sdelay $0x3  }
0x36: {  	p1 =	seq.s32 s10, $0x1;
	s10 =	sld [smem:$0x3FB2];
	_ =	sdelay $0x3  }
0x37: {  	[smem:$0x3FB2] =	sst s10  }
0x38: {  	s10 =	sld [smem:$0x3FB3]  }
0x39: {  	_ = 	snop;
	(pc) =	sbr.ind lr, $3  }
0x3a: {  	_ = 	snop  }
0x3b: {  	_ = 	snop  }
0x3c: {  	p2 =	seq.s32 s10, $0x1;
	s10 =	sld [smem:$0x3FB2]  }
0x3d: {  	_ =	shalt  }
0x3e: {  	_ =	shalt  }
0x3f: {  	_ =	shalt  }
0x40: {  	_ =	shalt  }
0x41: {  	_ =	shalt  }
0x42: {  	_ =	shalt  }
0x43: {  	_ =	shalt  }
0x44: {  	_ =	shalt  }
0x45: {  	_ =	shalt  }
0x46: {  	_ =	shalt  }
0x47: {  	_ =	shalt  }
0x48: {  	_ =	shalt  }
0x49: {  	_ =	shalt  }
0x4a: {  	_ =	shalt  }
0x4b: {  	_ =	shalt  }
0x4c: {  	_ =	shalt  }
0x4d: {  	_ =	shalt  }
0x4e: {  	_ =	shalt  }
0x4f: {  	_ =	shalt  }
0x50: {  	_ =	shalt  }
0x51: {  	_ =	shalt  }
0x52: {  	_ =	shalt  }
0x53: {  	_ =	shalt  }
0x54: {  	_ =	shalt  }
0x55: {  	_ =	shalt  }
0x56: {  	_ =	shalt  }
0x57: {  	_ =	shalt  }
0x58: {  	_ =	shalt  }
0x59: {  	_ =	shalt  }
0x5a: {  	_ =	shalt  }
0x5b: {  	_ =	shalt  }
0x5c: {  	_ =	shalt  }
0x5d: {  	_ =	shalt  }
0x5e: {  	_ =	shalt  }
0x5f: {  	_ =	shalt  }
0x60: {  	_ =	shalt  }
0x61: {  	_ =	shalt  }
0x62: {  	_ =	shalt  }
0x63: {  	_ =	shalt  }
0x64: {  	_ =	shalt  }
0x65: {  	_ =	shalt  }
0x66: {  	_ =	shalt  }
0x67: {  	_ =	shalt  }
0x68: {  	_ =	shalt  }
0x69: {  	_ =	shalt  }
0x6a: {  	_ =	shalt  }
0x6b: {  	_ =	shalt  }
0x6c: {  	_ =	shalt  }
0x6d: {  	_ =	shalt  }
0x6e: {  	_ =	shalt  }
0x6f: {  	_ =	shalt  }
0x70: {  	_ =	shalt  }
0x71: {  	_ =	shalt  }
0x72: {  	_ =	shalt  }
0x73: {  	_ =	shalt  }
0x74: {  	_ =	shalt  }
0x75: {  	_ =	shalt  }
0x76: {  	_ =	shalt  }
0x77: {  	_ =	shalt  }
0x78: {  	_ =	shalt  }
0x79: {  	_ =	shalt  }
0x7a: {  	_ =	shalt  }
0x7b: {  	_ =	shalt  }
0x7c: {  	_ =	shalt  }
0x7d: {  	_ =	shalt  }
0x7e: {  	_ =	shalt  }
0x7f: {  	_ =	shalt  }
0x80: {  	_ =	shalt  }
0x81: {  	_ =	shalt  }
0x82: {  	_ =	shalt  }
0x83: {  	_ =	shalt  }
0x84: {  	_ =	shalt  }
0x85: {  	_ =	shalt  }
0x86: {  	_ =	shalt  }
0x87: {  	_ =	shalt  }
.Lfunc_end0:
.L_simem_size_0:
called_computation.1_lowered:
.L_overlay_start_0:
0x88: {  	s2 =	sld [smem:$0x3FD9]  }
0x89: {  	s3 =	sld [smem:$0x3FFE];
	_ =	sdelay $0x1  }
0x8a: {  	s1 =	srdreg.scid  }
0x8b: {  	s0 =	sand.u32 $0x1, s1  }
0x8c: {  	s17 =	sshll.u32 s0, $0xA;
	s2 =	sadd.s32 s3, s2  }
0x8d: {  	s2 =	sadd.s32 s2, s17  }
0x8e: {  	[smem:$0x3FBE] =	sst s2  }
0x8f: {  	_ = 	snop  }
0x90: {  	s18 =	sld [smem:$0x3FC9]  }
0x91: {  	s4 =	sld [smem:$0x3FD0];
	(tm) =	ssettm $0x1  }
0x92: {  	s19 =	sld [smem:$0x3FFB];
	_ =	sdelay $0x3  }
0x93: {  	_ =	strace s19  }
0x94: {  	s2 =	sld [smem:$0x3FFC];
	_ =	sdelay $0x3  }
0x95: {  	_ =	strace s2  }
0x96: {  	s2 =	sld [smem:$0x3FFD];
	_ =	sdelay $0x3  }
0x97: {  	_ =	strace s2  }
0x98: {  	_ =	strace $0x8FFFFFFF  }
0x99: {  	s20 =	sld [smem:$0x3FDB];
	_ =	sdelay $0x1  }
0x9a: {  	s5 =	simm.s32 $_scs_section_size  }
0x9b: {  	s6 =	simm.s32 $_size__tile_overlayer_lowered;
	s7 =	simm.s32 $_tile_overlayer_lowered  }
0x9c: {  	s8 =	simm.s32 $0x1BFF;
	s21 =	sshll.u32 s7, $0x1;
	s5 =	sadd.s32 s5, s20  }
0x9d: {  	s22 =	simm.s32 $0x0;
	s6 =	sshll.u32 s6, $0x1;
	s7 =	sadd.s32 s21, s5  }
0x9e: {  	[timem:s22], [sflag:s8] =	dma.local [hbm:s7], s6  }
0x9f: {  	_ =	swait.ge [sflag:s8], s6  }
0xa0: {  	s6 =	ssub.s32 $0x0, s6;
	[sflag:s8] =	ssyncset.done $0x0  }
0xa1: {  	[sflag:s8] =	ssyncadd.s32 s6;
	_ =	sdelay $0x1  }
0xa2: {  	s23 =	simm.s32 $0x1B8B  }
0xa3: {  	_ =	swait.ge [sflag:s23], $0x1  }
0xa4: {  	[sflag:s23] =	ssyncset.done $0x0  }
0xa5: {  	[sflag:s23] =	ssyncadd.s32 $0xFFFFFFFF  }
0xa6: {  	s6 =	sld [smem:$0x0]  }
0xa7: {  	s7 =	sand.u32 $0xFFFFFFFE, s1  }
0xa8: {  	p0 =	sne.s32 s1, s7  }
0xa9: {  	s7 =	sshll.u32 @p0 s7, $0xE  }
0xaa: {  	s7 =	sadd.s32 @p0 $0x11B8D, s7;
	s8 =	sshll.u32 @p0 s6, $0x11  }
0xab: {  	s7 =	sor.u32 @p0 s8, s7  }
0xac: {  	[sflag:s7] =	ssyncadd.remote.s32 @p0 $0x1;
	_ =	sdelay $0x1  }
0xad: {  	s7 =	simm.s32 @p0 $0x1B8D  }
0xae: {  	_ =	swait.eq @p0 [sflag:s7], $0x1  }
0xaf: {  	[sflag:s7] =	ssyncadd.s32 @p0 $0xFFFFFFFF  }
0xb0: {  	s8 =	sshll.u32 @!p0 s1, $0xE  }
0xb1: {  	s8 =	sor.u32 @!p0 $0x4000, s8;
	s7 =	simm.s32 @!p0 $0x1B8D  }
0xb2: {  	s6 =	sshll.u32 @!p0 s6, $0x11;
	s8 =	sadd.s32 @!p0 $0x11B8D, s8;
	_ =	swait.eq @!p0 [sflag:s7], $0x1  }
0xb3: {  	s6 =	sor.u32 @!p0 s6, s8;
	[sflag:s7] =	ssyncadd.s32 @!p0 $0xFFFFFFFF  }
0xb4: {  	s25 =	simm.s32 $0x1B8E;
	s24 =	sld [smem:$0x3FFE];
	[sflag:s6] =	ssyncadd.remote.s32 @!p0 $0x1  }
0xb5: {  	s26 =	simm.s32 $execute0_lowered;
	[smem:$0x3FD2] =	sst s25  }
0xb6: {  	s7 =	sshll.u32 s26, $0x1;
	_ =	strace $0x80000049;
	[dreg:$0x1] =	wrdreg $0xFFFFFFFF  }
0xb7: {  	s28 =	simm.s32 $_size_execute0_lowered;
	s5 =	sadd.s32 s5, s7;
	[dreg:$0x0] =	wrdreg $0x0  }
0xb8: {  	s7 =	sshll.u32 s28, $0x1;
	[dreg:$0x2] =	wrdreg s5  }
0xb9: {  	[dreg:$0x3] =	wrdreg s7  }
0xba: {  	[dreg:$0x4] =	wrdreg $0xC0  }
0xbb: {  	_ =	task [dreg:s22], $0x5FFFF  }
0xbc: {  	[dreg:$0x1] =	wrdreg $0xFFFFFFFF  }
0xbd: {  	[dreg:$0x0] =	wrdreg $0x60  }
0xbe: {  	[dreg:$0x2] =	wrdreg s18  }
0xbf: {  	[dreg:$0x3] =	wrdreg s4  }
0xc0: {  	[dreg:$0x4] =	wrdreg s24  }
0xc1: {  	[dreg:$0x5] =	wrdreg $0x98000  }
0xc2: {  	[dreg:$0x6] =	wrdreg $0xA  }
0xc3: {  	_ =	task.clear_ibuf [dreg:s22], $0x7FFFF;
	_ =	strace $0x90000049  }
0xc4: {  	s29 =	simm.s32 $0xA;
	_ =	strace $0x8000004B  }
0xc5: {  	_ =	swait.ge [sflag:s29], $0x1  }
0xc6: {  	[sflag:s29] =	ssyncadd.s32 $0xFFFFFFFF  }
0xc7: {  	_ =	strace $0x9000004B  }
0xc8: {  	_ =	sfence  }
0xc9: {  	s30 =	sld [smem:$0x0];
	_ =	sdelay $0x2  }
0xca: {  	s31 =	sshll.u32 s1, $0xD;
	s1 =	sshrl.u32 s1, $0x2  }
0xcb: {  	s4 =	sand.u32 $0x4000, s31;
	s1 =	sadd.s32 s1, s30  }
0xcc: {  	s0 =	sor.u32 s4, s0;
	s1 =	sshll.u32 s1, $0x11  }
0xcd: {  	s0 =	sor.u32 s1, s0  }
0xce: {  	s0 =	sadd.s32 $0x8F2B, s0  }
0xcf: {  	[sflag:s0] =	ssyncadd.remote.s32 $0x1  }
0xd0: {  	_ =	sfence.sel $0xFFFF  }
0xd1: {  	[dreg:$0x0] =	wrdreg $0xFFFFFFFF;
	(pc) =	sbr.abs _section_cstart, $3  }
0xd2: {  	[dreg:$0x1] =	wrdreg $0xFFFFFFFF  }
0xd3: {  	_ =	task.clear_ibuf [dreg:s22], $0x2FFFF;
	_ =	strace $0x9FFFFFFF  }
0xd4: {  	(tm) =	ssettm $0x7FFFFFFF  }
0xd5: {  	_ =	shalt  }
tec
execute0_lowered:
.L_overlay_start_1:
0x0: {  	(tag) =	ssettag $0x1  }
0x1: {  	s1 =	rddreg [dreg:$0x0]  }
0x2: {  	s8 =	rddreg [dreg:$0x1]  }
0x3: {  	s6 =	rddreg [dreg:$0x2];
	s0 =	srdreg.scid  }
0x4: {  	s3 =	rddreg [dreg:$0x3];
	s2 =	stileid.u32  }
0x5: {  	s4 =	simm.s32 $0x0;
	s15 =	simm.s32 $0x4000;
	s17 =	simm.s32 $0x2800  }
0x6: {  	s19 =	simm.s32 $0x5400;
	s20 =	simm.s32 $0x80;
	s21 =	simm.s32 $0x5800  }
0x7: {  	s22 =	simm.s32 $0x0;
	s7 =	sand.u32 $0x1, s0;
	s11 =	smul.u32 $0x13C00, s2  }
0x8: {  	s0 =	rddreg [dreg:$0x4];
	s10 =	sshll.u32 s2, $0xA;
	s13 =	smul.u32 $0x4F000, s2  }
0x9: {  	[smem:$0x7FF] =	sst s4;
	s29 =	sxor.u32 $0xC, s2;
	s5 =	smul.u32 $0x2C000, s7  }
0xa: {  	s31 =	sshll.u32 s2, $0x6;
	s9 =	smul.u32 $0x13C000, s7;
	_ =	strace $0x8000004A  }
0xb: {  	s12 =	ssub.s32 $0x2, s7;
	p0 =	seq.s32 s7, $0x0;
	s7 =	simm.s32 $0x510  }
0xc: {  	s28 =	sshrl.u32 s12, $0x1;
	s7 =	simm.s32 @!p0 $0x4B4;
	s30 =	sshrl.u32 s13, $0x2  }
0xd: {  	s13 =	simm.s32 $0x1;
	s5 =	sor.u32 s10, s5;
	s25 =	sadd.s32 s11, s9  }
0xe: {  	s12 =	ssub.s32 s12, s28;
	s14 =	sadd.s32 s30, s3;
	s10 =	sshrl.u32 s5, $0x3  }
0xf: {  	s11 =	sshrl.u32 s25, $0x3;
	s5 =	sadd.s32 $0xE200, s6;
	s26 =	sadd.s32 s10, s6  }
0x10: {  	s11 =	sadd.s32 s11, s6;
	s6 =	sadd.s32 s7, s29;
	s7 =	sor.u32 $0x1C01, s31  }
0x11: {  	s8 =	sadd.s32 s8, s10;
	s6 =	sshrl.u32 s6, $0x4;
	s9 =	sadd.s32 $0x2400, s26  }
0x12: {  	s10 =	sadd.s32 $0x10A00, s11;
	s11 =	smax.u32 s12, $0x1;
	s12 =	sshrl.u32 s14, $0x3  }
0x13: {  	s14 =	simm.s32 $0x400;
	s16 =	sadd.s32 $0x5000, s8;
	s18 =	sadd.s32 $0x5000, s9  }
.LBB2_1:
0x14: {  	[spmem:s12], [sflag:s7] =	dma.local [hbm:s5], $0x2780  }
0x15: {  	_ =	swait.ge [sflag:s13], $0x2780  }
0x16: {  	[sflag:s13] =	ssyncset.done $0x0  }
0x17: {  	[sflag:s13] =	ssyncadd.s32 $0xFFFFD880  }
0x18: {  	[bflag:$0x0] =	sbarrier.arrive $0xFFFF  }
0x19: {  	[tilespmem:s4], [sflag:$0x1] =	stream.strided.gather [hbm4b:s8+s14], $0x2800, s15, s14, $0x38;
	[tilespmem:$0x1D400] =	vst v63  }
0x1a: {  	_ = 	snop  }
0x1b: {  	[tilespmem:s17], [sflag:$0x1] =	stream.linear.gather [hbm4b:s16+s4], $0x80, $0x38;
	[tilespmem:$0x1D400] =	vst v63  }
0x1c: {  	_ =	swait.ge [sflag:s13], $0x2880  }
0x1d: {  	[sflag:s13] =	ssyncset.done $0x0  }
0x1e: {  	s23 =	simm.s32 $0x2C00;
	[sflag:s13] =	ssyncadd.s32 $0xFFFFD780  }
0x1f: {  	[tilespmem:s23], [sflag:$0x1] =	stream.strided.gather [hbm4b:s9+s14], $0x2800, s15, s14, $0x38;
	[tilespmem:$0x1D400] =	vst v63  }
0x20: {  	_ = 	snop  }
0x21: {  	[tilespmem:s19], [sflag:$0x1] =	stream.linear.gather [hbm4b:s18+s4], $0x80, $0x38;
	[tilespmem:$0x1D400] =	vst v63  }
0x22: {  	_ =	swait.ge [sflag:s13], $0x2880  }
0x23: {  	[sflag:s13] =	ssyncset.done $0x0  }
0x24: {  	[sflag:s13] =	ssyncadd.s32 $0xFFFFD780  }
0x25: {  	[tilespmem:s21], [sflag:$0x1] =	stream.indirect.gather [hbm4b:s1+s20], $0x80, s4, s20, $0xb8;
	[tilespmem:$0x1D400] =	vst v63  }
0x26: {  	p0 =	sne.s32 s6, $0x1;
	_ =	swait.ge [sflag:s13], $0x4000  }
.Ltmp0:
0x27: {  	[sflag:s13] =	ssyncset.done $0x0;
	(pc) =	sbr.rel @!p0 .LBB2_3-.Ltmp0, $4  }
0x28: {  	[sflag:s13] =	ssyncadd.s32 $0xFFFFC000  }
0x29: {  	[spmem:s3] =	stream.indirect.scatter.add.f32 [tilespmem:s21], [sflag:$0x1], $0x80, s23, s20, $0xb8;
	[tilespmem:$0x1D400] =	vst v63  }
0x2a: {  	_ =	swait.ge [sflag:s13], $0x4000  }
0x2b: {  	s24 =	sadd.s32 $0xFFFFFFFF, s6;
	s25 =	simm.s32 $0x0;
	[sflag:s13] =	ssyncset.done $0x0  }
.LBB2_2:
0x2c: {  	[sflag:s13] =	ssyncadd.s32 $0xFFFFC000;
	s25 =	sadd.s32 $0x80, s25;
	s23 =	sadd.s32 $0x80, s23  }
0x2d: {  	[tilespmem:s21], [sflag:$0x1] =	stream.indirect.gather [hbm4b:s1+s20], $0x80, s25, s20, $0xb8;
	[tilespmem:$0x1D400] =	vst v63  }
0x2e: {  	p0 =	sne.s32 s24, $0x1;
	s24 =	sadd.s32 $0xFFFFFFFF, s24;
	_ =	swait.ge [sflag:s13], $0x4000  }
.Ltmp1:
0x2f: {  	[sflag:s13] =	ssyncset.done $0x0;
	(pc) =	sbr.rel @p0 .LBB2_2-.Ltmp1, $4  }
0x30: {  	[sflag:s13] =	ssyncadd.s32 $0xFFFFC000  }
0x31: {  	[spmem:s3] =	stream.indirect.scatter.add.f32 [tilespmem:s21], [sflag:$0x1], $0x80, s23, s20, $0xb8;
	[tilespmem:$0x1D400] =	vst v63  }
0x32: {  	_ =	swait.ge [sflag:s13], $0x4000  }
0x33: {  	[sflag:s13] =	ssyncset.done $0x0  }
.LBB2_3:
0x34: {  	s22 =	sadd.s32 $0x1, s22  }
0x35: {  	[sflag:s13] =	ssyncadd.s32 $0xFFFFC000;
	p0 =	sne.s32 s22, s11  }
.Ltmp2:
0x36: {  	[bflag:$0x0] =	sbarrier.arrive $0xFFFF;
	(pc) =	sbr.rel @p0 .LBB2_1-.Ltmp2, $4  }
0x37: {  	[hbm:s10], [sflag:s7] =	dma.local [spmem:s12], $0x2780  }
0x38: {  	_ =	swait.ge [sflag:s13], $0x2780  }
0x39: {  	[sflag:s13] =	ssyncset.done $0x0  }
0x3a: {  	[sflag:s13] =	ssyncadd.s32 $0xFFFFD880  }
0x3b: {  	_ =	sfence.sel $0x180000  }
0x3c: {  	[bflag:$0x0] =	sbarrier.arrive $0xFFFF  }
0x3d: {  	p0 =	sne.s32 s2, $0x0;
	_ =	strace $0x9000004A  }
0x3e: {  	s0 =	sadd.s32 @!p0 $0x100000, s0;
	[bflag:$0x2] =	sbarrier.arrive $0xFFFF  }
0x3f: {  	[sflag:s0] =	ssyncadd.tile.s32 @!p0 $0x1;
	_ =	shalt  }
.Lfunc_end2:
_tile_overlayer_lowered:
.L_overlay_start_2:
0x40: {  	(tag) =	ssettag $0x2  }
0x41: {  	s0 =	rddreg [dreg:$0x0];
	s2 =	stileid.u32  }
0x42: {  	s1 =	rddreg [dreg:$0x1];
	p0 =	sne.s32 s2, $0x0  }
0x43: {  	s3 =	rddreg [dreg:$0x2];
	[bflag:$0x3] =	sbarrier.arrive $0xFFFF;
	s2 =	simm.s32 @!p0 $0x1C01  }
0x44: {  	[timem:s3], [sflag:s2] =	dma.local @!p0 [hbm:s0], s1  }
0x45: {  	s0 =	simm.s32 @!p0 $0x1  }
0x46: {  	_ =	swait.ge @!p0 [sflag:s0], s1  }
0x47: {  	s1 =	ssub.s32 @!p0 $0x0, s1;
	[sflag:s0] =	ssyncset.done @!p0 $0x0  }
0x48: {  	[sflag:s0] =	ssyncadd.s32 @!p0 s1  }
0x49: {  	[bflag:$0x3] =	sbarrier.arrive $0xFFFF  }
0x4a: {  	_ =	shalt  }

// kernel: kernel.13.cloned.1.call-start
scs
__scs_entry_jumppad:
0x0: {  	(pc) =	sbr.rel $0x88, $3  }
0x1: {  	(tag) =	ssettag $0x0;
	lr =	simm.s32 $0x1  }
0x2: {  	[smem:$0x3F97] =	sst lr;
	_ =	strace $0xD0000000  }
0x3: {  	_ = 	snop  }
0x4: {  	_ = 	snop  }
0x5: {  	_ = 	snop  }
0x6: {  	_ = 	snop  }
0x7: {  	_ = 	snop  }
__scs_overlays_trampoline_lowered:
0x8: {  	[smem:$0x3FA6] =	sst s0  }
0x9: {  	[smem:$0x3FA7] =	sst s1  }
0xa: {  	[smem:$0x3FA8] =	sst s2  }
0xb: {  	[smem:$0x3FA9] =	sst s3  }
0xc: {  	[smem:$0x3FAA] =	sst s4  }
0xd: {  	[smem:$0x3FAB] =	sst s5  }
0xe: {  	[smem:$0x3FAC] =	sst s6  }
0xf: {  	[smem:$0x3FAD] =	sst s7  }
0x10: {  	[smem:$0x3FAE] =	sst s8  }
0x11: {  	[smem:$0x3FAF] =	sst s9;
	s0 =	simm.s32 @!p0 $0x0  }
0x12: {  	s1 =	sld [smem:$0x3F95];
	s0 =	simm.s32 @p0 $0x1  }
0x13: {  	[smem:$0x3FB0] =	sst s0;
	s0 =	simm.s32 @!p1 $0x0  }
0x14: {  	s2 =	sld [smem:$0x3F94];
	s0 =	simm.s32 @p1 $0x1  }
0x15: {  	[smem:$0x3FB1] =	sst s0;
	s0 =	simm.s32 @!p2 $0x0  }
0x16: {  	s3 =	sld [smem:$0x3FDB];
	s0 =	simm.s32 @p2 $0x1  }
0x17: {  	s4 =	simm.s32 $0x1BF5;
	[smem:$0x3FB3] =	sst s0  }
0x18: {  	s0 =	sld [smem:$0x3F96];
	_ =	swait.ge [sflag:s4], $0x0  }
0x19: {  	s7 =	sld [smem:$0x3F97]  }
0x1a: {  	s8 =	sadd.s32 $0xFFFFE003, lr  }
0x1b: {  	s9 =	sadd.s32 $0xFFFFFEF7, lr;
	s5 =	simm.s32 $0xFFFFFFFF;
	p2 =	slt.u32 s8, $0xFFFFF086  }
0x1c: {  	p1 =	slt.u32 s9, $0xF7A;
	s5 =	simm.s32 @!p2 $0x0  }
0x1d: {  	s5 =	simm.s32 @p1 $0x1;
	p0 =	seq.s32 s7, s2  }
0x1e: {  	s7 =	smul.u32 @!p0 $0xF7A, s2;
	p2 =	seq.s32 @!p0 s5, $0x0  }
0x1f: {  	s9 =	smul.u32 $0xF7A, s1;
	s8 =	simm.s32 @!p0 $0x1BF5;
	p2 =	por !p2, p0  }
0x20: {  	[sflag:s8] =	ssyncset.s32 @!p0 $0xFFFFF086;
	s6 =	sadd.s32 @!p0 s3, s7;
	s7 =	simm.s32 @!p0 $0x108  }
0x21: {  	s3 =	sadd.s32 s3, s9;
	s6 =	sadd.s32 @!p0 $0x88, s6;
	s7 =	simm.s32 @p2 $0x1082  }
0x22: {  	[simem:s7], [sflag:s8] =	dma.local @!p0 [hbm:s6], $0xF7A  }
0x23: {  	s9 =	sor.u32 $0xD0000000, s2;
	s6 =	simm.s32 $0x108;
	_ =	swait.ge @!p0 [sflag:s8], $0x0  }
0x24: {  	s3 =	sadd.s32 $0x88, s3;
	s6 =	simm.s32 @!p1 $0x1082;
	[sflag:s4] =	ssyncset.s32 $0xFFFFF086  }
0x25: {  	[simem:s6], [sflag:s4] =	dma.local [hbm:s3], $0xF7A  }
0x26: {  	[smem:$0x3F97] =	sst s1;
	(tag) =	ssettag s2;
	_ =	strace s9  }
0x27: {  	s1 =	sld [smem:$0x3FA7]  }
0x28: {  	s2 =	sld [smem:$0x3FA8]  }
0x29: {  	s4 =	sld [smem:$0x3FAA]  }
0x2a: {  	p0 =	seq.s32 s5, $0x0;
	s5 =	sld [smem:$0x3FAB]  }
0x2b: {  	s6 =	sld [smem:$0x3FAC]  }
0x2c: {  	s7 =	sld [smem:$0x3FAD]  }
0x2d: {  	s3 =	simm.s32 $0x108;
	s8 =	sld [smem:$0x3FAE]  }
0x2e: {  	s3 =	simm.s32 @!p0 $0x1082;
	s9 =	sld [smem:$0x3FAF]  }
0x2f: {  	lr =	sadd.s32 s0, s3;
	s0 =	sld [smem:$0x3FA6]  }
0x30: {  	s3 =	sld [smem:$0x3FA9]  }
0x31: {  	[smem:$0x3FB2] =	sst s10  }
0x32: {  	s10 =	sld [smem:$0x3FB0];
	_ =	sdelay $0x3  }
0x33: {  	p0 =	seq.s32 s10, $0x1;
	s10 =	sld [smem:$0x3FB2];
	_ =	sdelay $0x3  }
0x34: {  	[smem:$0x3FB2] =	sst s10  }
0x35: {  	s10 =	sld [smem:$0x3FB1];
	_ =	sdelay $0x3  }
0x36: {  	p1 =	seq.s32 s10, $0x1;
	s10 =	sld [smem:$0x3FB2];
	_ =	sdelay $0x3  }
0x37: {  	[smem:$0x3FB2] =	sst s10  }
0x38: {  	s10 =	sld [smem:$0x3FB3]  }
0x39: {  	_ = 	snop;
	(pc) =	sbr.ind lr, $3  }
0x3a: {  	_ = 	snop  }
0x3b: {  	_ = 	snop  }
0x3c: {  	p2 =	seq.s32 s10, $0x1;
	s10 =	sld [smem:$0x3FB2]  }
0x3d: {  	_ =	shalt  }
0x3e: {  	_ =	shalt  }
0x3f: {  	_ =	shalt  }
0x40: {  	_ =	shalt  }
0x41: {  	_ =	shalt  }
0x42: {  	_ =	shalt  }
0x43: {  	_ =	shalt  }
0x44: {  	_ =	shalt  }
0x45: {  	_ =	shalt  }
0x46: {  	_ =	shalt  }
0x47: {  	_ =	shalt  }
0x48: {  	_ =	shalt  }
0x49: {  	_ =	shalt  }
0x4a: {  	_ =	shalt  }
0x4b: {  	_ =	shalt  }
0x4c: {  	_ =	shalt  }
0x4d: {  	_ =	shalt  }
0x4e: {  	_ =	shalt  }
0x4f: {  	_ =	shalt  }
0x50: {  	_ =	shalt  }
0x51: {  	_ =	shalt  }
0x52: {  	_ =	shalt  }
0x53: {  	_ =	shalt  }
0x54: {  	_ =	shalt  }
0x55: {  	_ =	shalt  }
0x56: {  	_ =	shalt  }
0x57: {  	_ =	shalt  }
0x58: {  	_ =	shalt  }
0x59: {  	_ =	shalt  }
0x5a: {  	_ =	shalt  }
0x5b: {  	_ =	shalt  }
0x5c: {  	_ =	shalt  }
0x5d: {  	_ =	shalt  }
0x5e: {  	_ =	shalt  }
0x5f: {  	_ =	shalt  }
0x60: {  	_ =	shalt  }
0x61: {  	_ =	shalt  }
0x62: {  	_ =	shalt  }
0x63: {  	_ =	shalt  }
0x64: {  	_ =	shalt  }
0x65: {  	_ =	shalt  }
0x66: {  	_ =	shalt  }
0x67: {  	_ =	shalt  }
0x68: {  	_ =	shalt  }
0x69: {  	_ =	shalt  }
0x6a: {  	_ =	shalt  }
0x6b: {  	_ =	shalt  }
0x6c: {  	_ =	shalt  }
0x6d: {  	_ =	shalt  }
0x6e: {  	_ =	shalt  }
0x6f: {  	_ =	shalt  }
0x70: {  	_ =	shalt  }
0x71: {  	_ =	shalt  }
0x72: {  	_ =	shalt  }
0x73: {  	_ =	shalt  }
0x74: {  	_ =	shalt  }
0x75: {  	_ =	shalt  }
0x76: {  	_ =	shalt  }
0x77: {  	_ =	shalt  }
0x78: {  	_ =	shalt  }
0x79: {  	_ =	shalt  }
0x7a: {  	_ =	shalt  }
0x7b: {  	_ =	shalt  }
0x7c: {  	_ =	shalt  }
0x7d: {  	_ =	shalt  }
0x7e: {  	_ =	shalt  }
0x7f: {  	_ =	shalt  }
0x80: {  	_ =	shalt  }
0x81: {  	_ =	shalt  }
0x82: {  	_ =	shalt  }
0x83: {  	_ =	shalt  }
0x84: {  	_ =	shalt  }
0x85: {  	_ =	shalt  }
0x86: {  	_ =	shalt  }
0x87: {  	_ =	shalt  }
.Lfunc_end0:
.L_simem_size_0:
called_computation.2_lowered:
.L_overlay_start_0:
0x88: {  	s2 =	sld [smem:$0x3FD9]  }
0x89: {  	s3 =	sld [smem:$0x3FFE];
	_ =	sdelay $0x1  }
0x8a: {  	s1 =	srdreg.scid  }
0x8b: {  	s0 =	sand.u32 $0x1, s1  }
0x8c: {  	s17 =	sshll.u32 s0, $0xA;
	s2 =	sadd.s32 s3, s2  }
0x8d: {  	s2 =	sadd.s32 s2, s17  }
0x8e: {  	[smem:$0x3FBE] =	sst s2  }
0x8f: {  	_ = 	snop  }
0x90: {  	s2 =	sld [smem:$0x3FD0];
	(tm) =	ssettm $0x1  }
0x91: {  	s18 =	sld [smem:$0x3FFB];
	_ =	sdelay $0x3  }
0x92: {  	_ =	strace s18  }
0x93: {  	s3 =	sld [smem:$0x3FFC];
	_ =	sdelay $0x3  }
0x94: {  	_ =	strace s3  }
0x95: {  	s3 =	sld [smem:$0x3FFD];
	_ =	sdelay $0x3  }
0x96: {  	_ =	strace s3  }
0x97: {  	_ =	strace $0x8FFFFFFF  }
0x98: {  	s19 =	sld [smem:$0x3FDB];
	_ =	sdelay $0x1  }
0x99: {  	s4 =	simm.s32 $_scs_section_size  }
0x9a: {  	s5 =	simm.s32 $_size__tile_overlayer_lowered;
	s6 =	simm.s32 $_tile_overlayer_lowered  }
0x9b: {  	s22 =	simm.s32 $0x1BFF;
	s21 =	sshll.u32 s6, $0x1;
	s3 =	sadd.s32 s4, s19  }
0x9c: {  	s7 =	simm.s32 $0x0;
	s20 =	sshll.u32 s5, $0x1;
	s5 =	sadd.s32 s21, s3  }
0x9d: {  	[timem:s7], [sflag:s22] =	dma.local [hbm:s5], s20  }
0x9e: {  	_ =	swait.ge [sflag:s22], s20  }
0x9f: {  	s4 =	ssub.s32 $0x0, s20;
	[sflag:s22] =	ssyncset.done $0x0  }
0xa0: {  	[sflag:s22] =	ssyncadd.s32 s4;
	_ =	sdelay $0x1  }
0xa1: {  	s23 =	simm.s32 $0x1B8B  }
0xa2: {  	_ =	swait.ge [sflag:s23], $0x1  }
0xa3: {  	[sflag:s23] =	ssyncset.done $0x0  }
0xa4: {  	s25 =	simm.s32 $0x1B8E;
	s24 =	sld [smem:$0x3FFE];
	[sflag:s23] =	ssyncadd.s32 $0xFFFFFFFF  }
0xa5: {  	s26 =	simm.s32 $execute0_lowered;
	[smem:$0x3FD2] =	sst s25  }
0xa6: {  	s5 =	sshll.u32 s26, $0x1;
	_ =	strace $0x8000004C;
	[dreg:$0x1] =	wrdreg $0xFFFFFFFF  }
0xa7: {  	s28 =	simm.s32 $_size_execute0_lowered;
	s3 =	sadd.s32 s3, s5;
	[dreg:$0x0] =	wrdreg $0x0  }
0xa8: {  	s5 =	sshll.u32 s28, $0x1;
	[dreg:$0x2] =	wrdreg s3  }
0xa9: {  	[dreg:$0x3] =	wrdreg s5  }
0xaa: {  	[dreg:$0x4] =	wrdreg $0xC0  }
0xab: {  	_ =	task [dreg:s7], $0x5FFFF  }
0xac: {  	[dreg:$0x1] =	wrdreg $0xFFFFFFFF  }
0xad: {  	[dreg:$0x0] =	wrdreg $0x60  }
0xae: {  	[dreg:$0x2] =	wrdreg s24  }
0xaf: {  	[dreg:$0x3] =	wrdreg s2  }
0xb0: {  	[dreg:$0x4] =	wrdreg $0x98000  }
0xb1: {  	[dreg:$0x5] =	wrdreg $0x9  }
0xb2: {  	_ =	task.clear_ibuf [dreg:s7], $0x6FFFF;
	_ =	strace $0x9000004C  }
0xb3: {  	s29 =	simm.s32 $0x9;
	_ =	strace $0x8000004E  }
0xb4: {  	_ =	swait.ge [sflag:s29], $0x1  }
0xb5: {  	[sflag:s29] =	ssyncadd.s32 $0xFFFFFFFF  }
0xb6: {  	_ =	strace $0x9000004E  }
0xb7: {  	_ =	sfence  }
0xb8: {  	s30 =	sld [smem:$0x0];
	_ =	sdelay $0x2  }
0xb9: {  	s31 =	sshll.u32 s1, $0xD;
	s1 =	sshrl.u32 s1, $0x2  }
0xba: {  	s3 =	sand.u32 $0x4000, s31;
	s1 =	sadd.s32 s1, s30  }
0xbb: {  	s0 =	sor.u32 s3, s0;
	s1 =	sshll.u32 s1, $0x11  }
0xbc: {  	s0 =	sor.u32 s1, s0  }
0xbd: {  	s0 =	sadd.s32 $0x8F2B, s0  }
0xbe: {  	[sflag:s0] =	ssyncadd.remote.s32 $0x1  }
0xbf: {  	_ =	sfence.sel $0xFFFF  }
0xc0: {  	[dreg:$0x0] =	wrdreg $0xFFFFFFFF;
	(pc) =	sbr.abs _section_cstart, $3  }
0xc1: {  	[dreg:$0x1] =	wrdreg $0xFFFFFFFF  }
0xc2: {  	_ =	task.clear_ibuf [dreg:s7], $0x2FFFF;
	_ =	strace $0x9FFFFFFF  }
0xc3: {  	(tm) =	ssettm $0x7FFFFFFF  }
tec
execute0_lowered:
.L_overlay_start_1:
0x0: {  	(tag) =	ssettag $0x1  }
0x1: {  	s6 =	rddreg [dreg:$0x0]  }
0x2: {  	s8 =	rddreg [dreg:$0x1];
	s0 =	srdreg.scid  }
0x3: {  	s1 =	rddreg [dreg:$0x2];
	s3 =	simm.s32 $0x0;
	s2 =	stileid.u32  }
0x4: {  	s15 =	simm.s32 $0x4000;
	s17 =	simm.s32 $0x2800;
	s19 =	simm.s32 $0x5400  }
0x5: {  	s20 =	simm.s32 $0x80;
	s21 =	simm.s32 $0x5800;
	s22 =	simm.s32 $0x0  }
0x6: {  	s7 =	sand.u32 $0x1, s0;
	s0 =	rddreg [dreg:$0x3];
	s10 =	smul.u32 $0x13C00, s2  }
0x7: {  	[smem:$0x7FF] =	sst s3;
	s9 =	sshll.u32 s2, $0xA;
	s13 =	smul.u32 $0x4F000, s2  }
0x8: {  	s29 =	sxor.u32 $0xC, s2;
	s31 =	sshll.u32 s2, $0x6;
	s4 =	smul.u32 $0x2C000, s7  }
0x9: {  	s5 =	smul.u32 $0x13C000, s7;
	_ =	strace $0x8000004D;
	s12 =	ssub.s32 $0x2, s7  }
0xa: {  	p0 =	seq.s32 s7, $0x0;
	s7 =	simm.s32 $0x510;
	s28 =	sshrl.u32 s12, $0x1  }
0xb: {  	s7 =	simm.s32 @!p0 $0x4B4;
	s30 =	sshrl.u32 s13, $0x2;
	s13 =	simm.s32 $0x1  }
0xc: {  	s9 =	sor.u32 s9, s4;
	s4 =	sadd.s32 $0x10A00, s6;
	s5 =	sadd.s32 s10, s5  }
0xd: {  	s12 =	ssub.s32 s12, s28;
	s14 =	sadd.s32 s30, s1;
	s9 =	sshrl.u32 s9, $0x3  }
0xe: {  	s11 =	sshrl.u32 s5, $0x3;
	s5 =	sadd.s32 $0xE200, s6;
	s26 =	sadd.s32 s9, s6  }
0xf: {  	s11 =	sadd.s32 s11, s6;
	s6 =	sadd.s32 s7, s29;
	s7 =	sor.u32 $0x1C01, s31  }
0x10: {  	s8 =	sadd.s32 s8, s9;
	s6 =	sshrl.u32 s6, $0x4;
	s9 =	sadd.s32 $0x2400, s26  }
0x11: {  	s10 =	sadd.s32 $0xAEA00, s11;
	s11 =	smax.u32 s12, $0x1;
	s12 =	sshrl.u32 s14, $0x3  }
0x12: {  	s14 =	simm.s32 $0x400;
	s16 =	sadd.s32 $0x5000, s8;
	s18 =	sadd.s32 $0x5000, s9  }
.LBB2_1:
0x13: {  	[spmem:s12], [sflag:s7] =	dma.local [hbm:s5], $0x2780  }
0x14: {  	_ =	swait.ge [sflag:s13], $0x2780  }
0x15: {  	[sflag:s13] =	ssyncset.done $0x0  }
0x16: {  	[sflag:s13] =	ssyncadd.s32 $0xFFFFD880  }
0x17: {  	[bflag:$0x0] =	sbarrier.arrive $0xFFFF  }
0x18: {  	[tilespmem:s3], [sflag:$0x1] =	stream.strided.gather [hbm4b:s8+s14], $0x2800, s15, s14, $0x38;
	[tilespmem:$0x1D400] =	vst v63  }
0x19: {  	_ = 	snop  }
0x1a: {  	[tilespmem:s17], [sflag:$0x1] =	stream.linear.gather [hbm4b:s16+s3], $0x80, $0x38;
	[tilespmem:$0x1D400] =	vst v63  }
0x1b: {  	_ =	swait.ge [sflag:s13], $0x2880  }
0x1c: {  	[sflag:s13] =	ssyncset.done $0x0  }
0x1d: {  	s23 =	simm.s32 $0x2C00;
	[sflag:s13] =	ssyncadd.s32 $0xFFFFD780  }
0x1e: {  	[tilespmem:s23], [sflag:$0x1] =	stream.strided.gather [hbm4b:s9+s14], $0x2800, s15, s14, $0x38;
	[tilespmem:$0x1D400] =	vst v63  }
0x1f: {  	_ = 	snop  }
0x20: {  	[tilespmem:s19], [sflag:$0x1] =	stream.linear.gather [hbm4b:s18+s3], $0x80, $0x38;
	[tilespmem:$0x1D400] =	vst v63  }
0x21: {  	_ =	swait.ge [sflag:s13], $0x2880  }
0x22: {  	[sflag:s13] =	ssyncset.done $0x0  }
0x23: {  	[sflag:s13] =	ssyncadd.s32 $0xFFFFD780  }
0x24: {  	[tilespmem:s21], [sflag:$0x1] =	stream.indirect.gather [hbm4b:s4+s20], $0x80, s3, s20, $0xb8;
	[tilespmem:$0x1D400] =	vst v63  }
0x25: {  	p0 =	sne.s32 s6, $0x1;
	_ =	swait.ge [sflag:s13], $0x4000  }
.Ltmp0:
0x26: {  	[sflag:s13] =	ssyncset.done $0x0;
	(pc) =	sbr.rel @!p0 .LBB2_3-.Ltmp0, $4  }
0x27: {  	[sflag:s13] =	ssyncadd.s32 $0xFFFFC000  }
0x28: {  	[spmem:s1] =	stream.indirect.scatter.add.f32 [tilespmem:s21], [sflag:$0x1], $0x80, s23, s20, $0xb8;
	[tilespmem:$0x1D400] =	vst v63  }
0x29: {  	_ =	swait.ge [sflag:s13], $0x4000  }
0x2a: {  	s24 =	sadd.s32 $0xFFFFFFFF, s6;
	s25 =	simm.s32 $0x0;
	[sflag:s13] =	ssyncset.done $0x0  }
.LBB2_2:
0x2b: {  	[sflag:s13] =	ssyncadd.s32 $0xFFFFC000;
	s25 =	sadd.s32 $0x80, s25;
	s23 =	sadd.s32 $0x80, s23  }
0x2c: {  	[tilespmem:s21], [sflag:$0x1] =	stream.indirect.gather [hbm4b:s4+s20], $0x80, s25, s20, $0xb8;
	[tilespmem:$0x1D400] =	vst v63  }
0x2d: {  	p0 =	sne.s32 s24, $0x1;
	s24 =	sadd.s32 $0xFFFFFFFF, s24;
	_ =	swait.ge [sflag:s13], $0x4000  }
.Ltmp1:
0x2e: {  	[sflag:s13] =	ssyncset.done $0x0;
	(pc) =	sbr.rel @p0 .LBB2_2-.Ltmp1, $4  }
0x2f: {  	[sflag:s13] =	ssyncadd.s32 $0xFFFFC000  }
0x30: {  	[spmem:s1] =	stream.indirect.scatter.add.f32 [tilespmem:s21], [sflag:$0x1], $0x80, s23, s20, $0xb8;
	[tilespmem:$0x1D400] =	vst v63  }
0x31: {  	_ =	swait.ge [sflag:s13], $0x4000  }
0x32: {  	[sflag:s13] =	ssyncset.done $0x0  }
.LBB2_3:
0x33: {  	s22 =	sadd.s32 $0x1, s22  }
0x34: {  	[sflag:s13] =	ssyncadd.s32 $0xFFFFC000;
	p0 =	sne.s32 s22, s11  }
.Ltmp2:
0x35: {  	[bflag:$0x0] =	sbarrier.arrive $0xFFFF;
	(pc) =	sbr.rel @p0 .LBB2_1-.Ltmp2, $4  }
0x36: {  	[hbm:s10], [sflag:s7] =	dma.local [spmem:s12], $0x2780  }
0x37: {  	_ =	swait.ge [sflag:s13], $0x2780  }
0x38: {  	[sflag:s13] =	ssyncset.done $0x0  }
0x39: {  	[sflag:s13] =	ssyncadd.s32 $0xFFFFD880  }
0x3a: {  	_ =	sfence.sel $0x180000  }
0x3b: {  	[bflag:$0x0] =	sbarrier.arrive $0xFFFF  }
0x3c: {  	p0 =	sne.s32 s2, $0x0;
	_ =	strace $0x9000004D  }
0x3d: {  	s0 =	sadd.s32 @!p0 $0x100000, s0;
	[bflag:$0x2] =	sbarrier.arrive $0xFFFF  }
0x3e: {  	[sflag:s0] =	ssyncadd.tile.s32 @!p0 $0x1;
	_ =	shalt  }
.Lfunc_end2:
_tile_overlayer_lowered:
.L_overlay_start_2:
0x3f: {  	(tag) =	ssettag $0x2  }
0x40: {  	s0 =	rddreg [dreg:$0x0];
	s2 =	stileid.u32  }
0x41: {  	s1 =	rddreg [dreg:$0x1];
	p0 =	sne.s32 s2, $0x0  }
0x42: {  	s3 =	rddreg [dreg:$0x2];
	[bflag:$0x3] =	sbarrier.arrive $0xFFFF;
	s2 =	simm.s32 @!p0 $0x1C01  }
0x43: {  	[timem:s3], [sflag:s2] =	dma.local @!p0 [hbm:s0], s1  }
0x44: {  	s0 =	simm.s32 @!p0 $0x1  }
0x45: {  	_ =	swait.ge @!p0 [sflag:s0], s1  }
0x46: {  	s1 =	ssub.s32 @!p0 $0x0, s1;
	[sflag:s0] =	ssyncset.done @!p0 $0x0  }
0x47: {  	[sflag:s0] =	ssyncadd.s32 @!p0 s1  }
0x48: {  	[bflag:$0x3] =	sbarrier.arrive $0xFFFF  }
0x49: {  	_ =	shalt  }

// kernel: kernel.7.cloned.1.call-start
scs
__scs_entry_jumppad:
0x0: {  	(pc) =	sbr.rel $0x88, $3  }
0x1: {  	(tag) =	ssettag $0x0;
	lr =	simm.s32 $0x1  }
0x2: {  	[smem:$0x3F97] =	sst lr;
	_ =	strace $0xD0000000  }
0x3: {  	_ = 	snop  }
0x4: {  	_ = 	snop  }
0x5: {  	_ = 	snop  }
0x6: {  	_ = 	snop  }
0x7: {  	_ = 	snop  }
__scs_overlays_trampoline_lowered:
0x8: {  	[smem:$0x3FA6] =	sst s0  }
0x9: {  	[smem:$0x3FA7] =	sst s1  }
0xa: {  	[smem:$0x3FA8] =	sst s2  }
0xb: {  	[smem:$0x3FA9] =	sst s3  }
0xc: {  	[smem:$0x3FAA] =	sst s4  }
0xd: {  	[smem:$0x3FAB] =	sst s5  }
0xe: {  	[smem:$0x3FAC] =	sst s6  }
0xf: {  	[smem:$0x3FAD] =	sst s7  }
0x10: {  	[smem:$0x3FAE] =	sst s8  }
0x11: {  	[smem:$0x3FAF] =	sst s9;
	s0 =	simm.s32 @!p0 $0x0  }
0x12: {  	s1 =	sld [smem:$0x3F95];
	s0 =	simm.s32 @p0 $0x1  }
0x13: {  	[smem:$0x3FB0] =	sst s0;
	s0 =	simm.s32 @!p1 $0x0  }
0x14: {  	s2 =	sld [smem:$0x3F94];
	s0 =	simm.s32 @p1 $0x1  }
0x15: {  	[smem:$0x3FB1] =	sst s0;
	s0 =	simm.s32 @!p2 $0x0  }
0x16: {  	s3 =	sld [smem:$0x3FDB];
	s0 =	simm.s32 @p2 $0x1  }
0x17: {  	s4 =	simm.s32 $0x1BF5;
	[smem:$0x3FB3] =	sst s0  }
0x18: {  	s0 =	sld [smem:$0x3F96];
	_ =	swait.ge [sflag:s4], $0x0  }
0x19: {  	s7 =	sld [smem:$0x3F97]  }
0x1a: {  	s8 =	sadd.s32 $0xFFFFE003, lr  }
0x1b: {  	s9 =	sadd.s32 $0xFFFFFEF7, lr;
	s5 =	simm.s32 $0xFFFFFFFF;
	p2 =	slt.u32 s8, $0xFFFFF086  }
0x1c: {  	p1 =	slt.u32 s9, $0xF7A;
	s5 =	simm.s32 @!p2 $0x0  }
0x1d: {  	s5 =	simm.s32 @p1 $0x1;
	p0 =	seq.s32 s7, s2  }
0x1e: {  	s7 =	smul.u32 @!p0 $0xF7A, s2;
	p2 =	seq.s32 @!p0 s5, $0x0  }
0x1f: {  	s9 =	smul.u32 $0xF7A, s1;
	s8 =	simm.s32 @!p0 $0x1BF5;
	p2 =	por !p2, p0  }
0x20: {  	[sflag:s8] =	ssyncset.s32 @!p0 $0xFFFFF086;
	s6 =	sadd.s32 @!p0 s3, s7;
	s7 =	simm.s32 @!p0 $0x108  }
0x21: {  	s3 =	sadd.s32 s3, s9;
	s6 =	sadd.s32 @!p0 $0x88, s6;
	s7 =	simm.s32 @p2 $0x1082  }
0x22: {  	[simem:s7], [sflag:s8] =	dma.local @!p0 [hbm:s6], $0xF7A  }
0x23: {  	s9 =	sor.u32 $0xD0000000, s2;
	s6 =	simm.s32 $0x108;
	_ =	swait.ge @!p0 [sflag:s8], $0x0  }
0x24: {  	s3 =	sadd.s32 $0x88, s3;
	s6 =	simm.s32 @!p1 $0x1082;
	[sflag:s4] =	ssyncset.s32 $0xFFFFF086  }
0x25: {  	[simem:s6], [sflag:s4] =	dma.local [hbm:s3], $0xF7A  }
0x26: {  	[smem:$0x3F97] =	sst s1;
	(tag) =	ssettag s2;
	_ =	strace s9  }
0x27: {  	s1 =	sld [smem:$0x3FA7]  }
0x28: {  	s2 =	sld [smem:$0x3FA8]  }
0x29: {  	s4 =	sld [smem:$0x3FAA]  }
0x2a: {  	p0 =	seq.s32 s5, $0x0;
	s5 =	sld [smem:$0x3FAB]  }
0x2b: {  	s6 =	sld [smem:$0x3FAC]  }
0x2c: {  	s7 =	sld [smem:$0x3FAD]  }
0x2d: {  	s3 =	simm.s32 $0x108;
	s8 =	sld [smem:$0x3FAE]  }
0x2e: {  	s3 =	simm.s32 @!p0 $0x1082;
	s9 =	sld [smem:$0x3FAF]  }
0x2f: {  	lr =	sadd.s32 s0, s3;
	s0 =	sld [smem:$0x3FA6]  }
0x30: {  	s3 =	sld [smem:$0x3FA9]  }
0x31: {  	[smem:$0x3FB2] =	sst s10  }
0x32: {  	s10 =	sld [smem:$0x3FB0];
	_ =	sdelay $0x3  }
0x33: {  	p0 =	seq.s32 s10, $0x1;
	s10 =	sld [smem:$0x3FB2];
	_ =	sdelay $0x3  }
0x34: {  	[smem:$0x3FB2] =	sst s10  }
0x35: {  	s10 =	sld [smem:$0x3FB1];
	_ =	sdelay $0x3  }
0x36: {  	p1 =	seq.s32 s10, $0x1;
	s10 =	sld [smem:$0x3FB2];
	_ =	sdelay $0x3  }
0x37: {  	[smem:$0x3FB2] =	sst s10  }
0x38: {  	s10 =	sld [smem:$0x3FB3]  }
0x39: {  	_ = 	snop;
	(pc) =	sbr.ind lr, $3  }
0x3a: {  	_ = 	snop  }
0x3b: {  	_ = 	snop  }
0x3c: {  	p2 =	seq.s32 s10, $0x1;
	s10 =	sld [smem:$0x3FB2]  }
0x3d: {  	_ =	shalt  }
0x3e: {  	_ =	shalt  }
0x3f: {  	_ =	shalt  }
0x40: {  	_ =	shalt  }
0x41: {  	_ =	shalt  }
0x42: {  	_ =	shalt  }
0x43: {  	_ =	shalt  }
0x44: {  	_ =	shalt  }
0x45: {  	_ =	shalt  }
0x46: {  	_ =	shalt  }
0x47: {  	_ =	shalt  }
0x48: {  	_ =	shalt  }
0x49: {  	_ =	shalt  }
0x4a: {  	_ =	shalt  }
0x4b: {  	_ =	shalt  }
0x4c: {  	_ =	shalt  }
0x4d: {  	_ =	shalt  }
0x4e: {  	_ =	shalt  }
0x4f: {  	_ =	shalt  }
0x50: {  	_ =	shalt  }
0x51: {  	_ =	shalt  }
0x52: {  	_ =	shalt  }
0x53: {  	_ =	shalt  }
0x54: {  	_ =	shalt  }
0x55: {  	_ =	shalt  }
0x56: {  	_ =	shalt  }
0x57: {  	_ =	shalt  }
0x58: {  	_ =	shalt  }
0x59: {  	_ =	shalt  }
0x5a: {  	_ =	shalt  }
0x5b: {  	_ =	shalt  }
0x5c: {  	_ =	shalt  }
0x5d: {  	_ =	shalt  }
0x5e: {  	_ =	shalt  }
0x5f: {  	_ =	shalt  }
0x60: {  	_ =	shalt  }
0x61: {  	_ =	shalt  }
0x62: {  	_ =	shalt  }
0x63: {  	_ =	shalt  }
0x64: {  	_ =	shalt  }
0x65: {  	_ =	shalt  }
0x66: {  	_ =	shalt  }
0x67: {  	_ =	shalt  }
0x68: {  	_ =	shalt  }
0x69: {  	_ =	shalt  }
0x6a: {  	_ =	shalt  }
0x6b: {  	_ =	shalt  }
0x6c: {  	_ =	shalt  }
0x6d: {  	_ =	shalt  }
0x6e: {  	_ =	shalt  }
0x6f: {  	_ =	shalt  }
0x70: {  	_ =	shalt  }
0x71: {  	_ =	shalt  }
0x72: {  	_ =	shalt  }
0x73: {  	_ =	shalt  }
0x74: {  	_ =	shalt  }
0x75: {  	_ =	shalt  }
0x76: {  	_ =	shalt  }
0x77: {  	_ =	shalt  }
0x78: {  	_ =	shalt  }
0x79: {  	_ =	shalt  }
0x7a: {  	_ =	shalt  }
0x7b: {  	_ =	shalt  }
0x7c: {  	_ =	shalt  }
0x7d: {  	_ =	shalt  }
0x7e: {  	_ =	shalt  }
0x7f: {  	_ =	shalt  }
0x80: {  	_ =	shalt  }
0x81: {  	_ =	shalt  }
0x82: {  	_ =	shalt  }
0x83: {  	_ =	shalt  }
0x84: {  	_ =	shalt  }
0x85: {  	_ =	shalt  }
0x86: {  	_ =	shalt  }
0x87: {  	_ =	shalt  }
.Lfunc_end0:
.L_simem_size_0:
called_computation_lowered:
.L_overlay_start_0:
0x88: {  	s2 =	sld [smem:$0x3FD9]  }
0x89: {  	s3 =	sld [smem:$0x3FFE];
	_ =	sdelay $0x1  }
0x8a: {  	s1 =	srdreg.scid  }
0x8b: {  	s0 =	sand.u32 $0x1, s1  }
0x8c: {  	s16 =	sshll.u32 s0, $0xA;
	s2 =	sadd.s32 s3, s2  }
0x8d: {  	s2 =	sadd.s32 s2, s16  }
0x8e: {  	[smem:$0x3FBE] =	sst s2  }
0x8f: {  	_ = 	snop  }
0x90: {  	(tm) =	ssettm $0x1  }
0x91: {  	s17 =	sld [smem:$0x3FFB];
	_ =	sdelay $0x3  }
0x92: {  	_ =	strace s17  }
0x93: {  	s2 =	sld [smem:$0x3FFC];
	_ =	sdelay $0x3  }
0x94: {  	_ =	strace s2  }
0x95: {  	s2 =	sld [smem:$0x3FFD];
	_ =	sdelay $0x3  }
0x96: {  	_ =	strace s2  }
0x97: {  	_ =	strace $0x8FFFFFFF  }
0x98: {  	s18 =	sld [smem:$0x3FDB];
	_ =	sdelay $0x1  }
0x99: {  	s19 =	simm.s32 $_scs_section_size  }
0x9a: {  	s4 =	simm.s32 $_size__tile_overlayer_lowered;
	s5 =	simm.s32 $_tile_overlayer_lowered  }
0x9b: {  	s22 =	simm.s32 $0x1BFF;
	s21 =	sshll.u32 s5, $0x1;
	s2 =	sadd.s32 s19, s18  }
0x9c: {  	s6 =	simm.s32 $0x0;
	s20 =	sshll.u32 s4, $0x1;
	s4 =	sadd.s32 s21, s2  }
0x9d: {  	[timem:s6], [sflag:s22] =	dma.local [hbm:s4], s20  }
0x9e: {  	_ =	swait.ge [sflag:s22], s20  }
0x9f: {  	s3 =	ssub.s32 $0x0, s20;
	[sflag:s22] =	ssyncset.done $0x0  }
0xa0: {  	[sflag:s22] =	ssyncadd.s32 s3;
	_ =	sdelay $0x1  }
0xa1: {  	s23 =	simm.s32 $0x1B8B  }
0xa2: {  	_ =	swait.ge [sflag:s23], $0x1  }
0xa3: {  	[sflag:s23] =	ssyncset.done $0x0  }
0xa4: {  	s25 =	simm.s32 $0x1B8E;
	s24 =	sld [smem:$0x3FFE];
	[sflag:s23] =	ssyncadd.s32 $0xFFFFFFFF  }
0xa5: {  	s26 =	simm.s32 $execute0_lowered;
	[smem:$0x3FD2] =	sst s25  }
0xa6: {  	s4 =	sshll.u32 s26, $0x1;
	_ =	strace $0x80000046;
	[dreg:$0x1] =	wrdreg $0xFFFFFFFF  }
0xa7: {  	s28 =	simm.s32 $_size_execute0_lowered;
	s2 =	sadd.s32 s2, s4;
	[dreg:$0x0] =	wrdreg $0x0  }
0xa8: {  	s4 =	sshll.u32 s28, $0x1;
	[dreg:$0x2] =	wrdreg s2  }
0xa9: {  	[dreg:$0x3] =	wrdreg s4  }
0xaa: {  	[dreg:$0x4] =	wrdreg $0xC0  }
0xab: {  	_ =	task [dreg:s6], $0x5FFFF  }
0xac: {  	[dreg:$0x1] =	wrdreg $0xFFFFFFFF  }
0xad: {  	[dreg:$0x0] =	wrdreg $0x60  }
0xae: {  	[dreg:$0x2] =	wrdreg s24  }
0xaf: {  	[dreg:$0x3] =	wrdreg $0x2F000  }
0xb0: {  	[dreg:$0x4] =	wrdreg $0x9  }
0xb1: {  	_ =	task.clear_ibuf [dreg:s6], $0x5FFFF;
	_ =	strace $0x90000046  }
0xb2: {  	s29 =	simm.s32 $0x9;
	_ =	strace $0x80000048  }
0xb3: {  	_ =	swait.ge [sflag:s29], $0x1  }
0xb4: {  	[sflag:s29] =	ssyncadd.s32 $0xFFFFFFFF  }
0xb5: {  	_ =	strace $0x90000048  }
0xb6: {  	_ =	sfence  }
0xb7: {  	s30 =	sld [smem:$0x0];
	_ =	sdelay $0x2  }
0xb8: {  	s31 =	sshll.u32 s1, $0xD;
	s1 =	sshrl.u32 s1, $0x2  }
0xb9: {  	s3 =	sand.u32 $0x4000, s31;
	s1 =	sadd.s32 s1, s30  }
0xba: {  	s0 =	sor.u32 s3, s0;
	s1 =	sshll.u32 s1, $0x11  }
0xbb: {  	s0 =	sor.u32 s1, s0  }
0xbc: {  	s0 =	sadd.s32 $0x8F2B, s0  }
0xbd: {  	[sflag:s0] =	ssyncadd.remote.s32 $0x1  }
0xbe: {  	_ =	sfence.sel $0xFFFF  }
0xbf: {  	[dreg:$0x0] =	wrdreg $0xFFFFFFFF;
	(pc) =	sbr.abs _section_cstart, $3  }
0xc0: {  	[dreg:$0x1] =	wrdreg $0xFFFFFFFF  }
0xc1: {  	_ =	task.clear_ibuf [dreg:s6], $0x2FFFF;
	_ =	strace $0x9FFFFFFF  }
0xc2: {  	(tm) =	ssettm $0x7FFFFFFF  }
0xc3: {  	_ =	shalt  }
tec
execute0_lowered:
.L_overlay_start_1:
0x0: {  	(tag) =	ssettag $0x1  }
0x1: {  	s6 =	rddreg [dreg:$0x0];
	s0 =	srdreg.scid  }
0x2: {  	s2 =	rddreg [dreg:$0x1];
	s1 =	stileid.u32  }
0x3: {  	s3 =	simm.s32 $0x0;
	s11 =	simm.s32 $0x510;
	s13 =	simm.s32 $0x2C00  }
0x4: {  	s14 =	simm.s32 $0x400;
	s15 =	simm.s32 $0x4000;
	s17 =	simm.s32 $0x2800  }
0x5: {  	s18 =	simm.s32 $0x80;
	s19 =	simm.s32 $0x0;
	s7 =	sand.u32 $0x1, s0  }
0x6: {  	s0 =	rddreg [dreg:$0x2];
	s5 =	sshll.u32 s1, $0xA;
	s8 =	smul.u32 $0x278, s1  }
0x7: {  	[smem:$0x7FF] =	sst s3;
	s12 =	sxor.u32 $0xC, s1;
	s4 =	smul.u32 $0x2C000, s7  }
0x8: {  	s9 =	smul.u32 $0x2780, s7;
	p0 =	seq.s32 s7, $0x0;
	s7 =	ssub.s32 $0x2, s7  }
0x9: {  	_ =	strace $0x80000047;
	s11 =	simm.s32 @!p0 $0x4B4;
	s30 =	sshrl.u32 s7, $0x1  }
0xa: {  	s4 =	sor.u32 s5, s4;
	s5 =	sadd.s32 $0xD400, s6;
	s9 =	sadd.s32 s8, s9  }
0xb: {  	s11 =	sadd.s32 s11, s12;
	s31 =	ssub.s32 s7, s30;
	s7 =	sadd.s32 s8, s2  }
0xc: {  	s12 =	simm.s32 $0x1;
	s4 =	sshrl.u32 s4, $0x3;
	s9 =	sshrl.u32 s9, $0x3  }
0xd: {  	s10 =	sadd.s32 s4, s6;
	s4 =	sadd.s32 $0xD600, s6;
	s9 =	sadd.s32 s9, s6  }
0xe: {  	s6 =	sshrl.u32 s11, $0x4;
	s11 =	simm.s32 $0x2C80;
	s8 =	sadd.s32 $0x2400, s10  }
0xf: {  	s9 =	sadd.s32 $0xD800, s9;
	s10 =	smax.u32 s31, $0x1;
	s16 =	sadd.s32 $0x5000, s8  }
.LBB2_1:
0x10: {  	[tilespmem:s11], [sflag:$0x1] =	stream.linear.gather [hbm4b:s4+s3], $0x280, $0x38;
	[tilespmem:$0x3178] =	vst v63  }
0x11: {  	_ =	swait.ge [sflag:s12], $0x280  }
0x12: {  	[sflag:s12] =	ssyncset.done $0x0  }
0x13: {  	[sflag:s12] =	ssyncadd.s32 $0xFFFFFD80  }
0x14: {  	[spmem:s7] =	stream.linear.scatter [tilespmem:s11], [sflag:$0x1], $0x278, $0x38;
	[tilespmem:$0x3178] =	vst v63  }
0x15: {  	_ =	swait.ge [sflag:s12], $0x278  }
0x16: {  	[sflag:s12] =	ssyncset.done $0x0  }
0x17: {  	[sflag:s12] =	ssyncadd.s32 $0xFFFFFD88  }
0x18: {  	[tilespmem:s13], [sflag:$0x1] =	stream.linear.gather [hbm4b:s5+s3], $0x80, $0x38;
	[tilespmem:$0x3178] =	vst v63  }
0x19: {  	_ =	swait.ge [sflag:s12], $0x80  }
0x1a: {  	[sflag:s12] =	ssyncset.done $0x0  }
0x1b: {  	[sflag:s12] =	ssyncadd.s32 $0xFFFFFF80  }
0x1c: {  	[bflag:$0x0] =	sbarrier.arrive $0xFFFF  }
0x1d: {  	[tilespmem:s3], [sflag:$0x1] =	stream.strided.gather [hbm4b:s8+s14], $0x2800, s15, s14, $0x38;
	[tilespmem:$0x3178] =	vst v63  }
0x1e: {  	_ = 	snop  }
0x1f: {  	[tilespmem:s17], [sflag:$0x1] =	stream.linear.gather [hbm4b:s16+s3], $0x80, $0x38;
	[tilespmem:$0x3178] =	vst v63  }
0x20: {  	p0 =	sne.s32 s6, $0x1;
	_ =	swait.ge [sflag:s12], $0x2880  }
.Ltmp0:
0x21: {  	[sflag:s12] =	ssyncset.done $0x0;
	(pc) =	sbr.rel @!p0 .LBB2_3-.Ltmp0, $4  }
0x22: {  	[sflag:s12] =	ssyncadd.s32 $0xFFFFD780  }
0x23: {  	[spmem:s2] =	stream.indirect.scatter.add.f32 [tilespmem:s13], [sflag:$0x1], $0x1, s3, s18, $0xb8;
	[tilespmem:$0x3178] =	vst v63  }
0x24: {  	_ =	swait.ge [sflag:s12], $0x80  }
0x25: {  	s20 =	sadd.s32 $0xFFFFFFFF, s6;
	s21 =	simm.s32 $0x0;
	[sflag:s12] =	ssyncset.done $0x0  }
.LBB2_2:
0x26: {  	p0 =	sne.s32 s20, $0x1;
	[sflag:s12] =	ssyncadd.s32 $0xFFFFFF80;
	s21 =	sadd.s32 $0x80, s21  }
.Ltmp1:
0x27: {  	s20 =	sadd.s32 $0xFFFFFFFF, s20;
	(pc) =	sbr.rel @p0 .LBB2_2-.Ltmp1, $4  }
0x28: {  	_ = 	snop  }
0x29: {  	[spmem:s2] =	stream.indirect.scatter.add.f32 [tilespmem:s13], [sflag:$0x1], $0x1, s21, s18, $0xb8;
	[tilespmem:$0x3178] =	vst v63  }
0x2a: {  	_ =	swait.ge [sflag:s12], $0x80  }
0x2b: {  	[sflag:s12] =	ssyncset.done $0x0  }
.LBB2_3:
0x2c: {  	[sflag:s12] =	ssyncadd.s32 $0xFFFFFF80  }
0x2d: {  	[bflag:$0x0] =	sbarrier.arrive $0xFFFF  }
0x2e: {  	[tilespmem:s11], [sflag:$0x1] =	stream.linear.gather [spmem:s7], $0x278, $0x38;
	[tilespmem:$0x3178] =	vst v63  }
0x2f: {  	s19 =	sadd.s32 $0x1, s19;
	_ =	swait.ge [sflag:s12], $0x278  }
0x30: {  	p0 =	sne.s32 s19, s10;
	[sflag:s12] =	ssyncset.done $0x0  }
.Ltmp2:
0x31: {  	[sflag:s12] =	ssyncadd.s32 $0xFFFFFD88;
	(pc) =	sbr.rel @p0 .LBB2_1-.Ltmp2, $4  }
0x32: {  	[hbm4b:s9+s3] =	stream.linear.scatter [tilespmem:s11], [sflag:$0x1], $0x278, $0x38;
	[tilespmem:$0x3178] =	vst v63  }
0x33: {  	_ =	swait.ge [sflag:s12], $0x278  }
0x34: {  	[sflag:s12] =	ssyncset.done $0x0  }
0x35: {  	[sflag:s12] =	ssyncadd.s32 $0xFFFFFD88  }
0x36: {  	_ =	sfence.sel $0x180000  }
0x37: {  	[bflag:$0x0] =	sbarrier.arrive $0xFFFF  }
0x38: {  	p0 =	sne.s32 s1, $0x0;
	_ =	strace $0x90000047  }
0x39: {  	s0 =	sadd.s32 @!p0 $0x100000, s0;
	[bflag:$0x2] =	sbarrier.arrive $0xFFFF  }
0x3a: {  	[sflag:s0] =	ssyncadd.tile.s32 @!p0 $0x1;
	_ =	shalt  }
.Lfunc_end2:
_tile_overlayer_lowered:
.L_overlay_start_2:
0x3b: {  	(tag) =	ssettag $0x2  }
0x3c: {  	s0 =	rddreg [dreg:$0x0];
	s2 =	stileid.u32  }
0x3d: {  	s1 =	rddreg [dreg:$0x1];
	p0 =	sne.s32 s2, $0x0  }
0x3e: {  	s3 =	rddreg [dreg:$0x2];
	[bflag:$0x3] =	sbarrier.arrive $0xFFFF;
	s2 =	simm.s32 @!p0 $0x1C01  }
0x3f: {  	[timem:s3], [sflag:s2] =	dma.local @!p0 [hbm:s0], s1  }
0x40: {  	s0 =	simm.s32 @!p0 $0x1  }
0x41: {  	_ =	swait.ge @!p0 [sflag:s0], s1  }
0x42: {  	s1 =	ssub.s32 @!p0 $0x0, s1;
	[sflag:s0] =	ssyncset.done @!p0 $0x0  }
0x43: {  	[sflag:s0] =	ssyncadd.s32 @!p0 s1  }
0x44: {  	[bflag:$0x3] =	sbarrier.arrive $0xFFFF  }
0x45: {  	_ =	shalt  }

</sc_bundles>
